<compile_context>
chip_gen: v7x
topology: tpu7x:2x2x1
jax: 0.10.2.dev20260603
libtpu: 0.0.44.dev20260713+nightly
codegen_flags: <defaults>
</compile_context>

<pallas_src>
import functools

import jax
import jax.numpy as jnp
from jax import lax
from jax.experimental import pallas as pl
from jax.experimental.pallas import tpu as pltpu
from jax.experimental.pallas import tpu_sc as plsc

_NC = 2
_NS = 16
_NW = _NC * _NS


def _sc_gather_coeffs(t, table_a, table_b, chunk):
    B = t.shape[0]
    per_w = B // _NW
    chunk = min(chunk, per_w)
    n_chunks = per_w // chunk
    mesh = plsc.VectorSubcoreMesh(
        core_axis_name="c", subcore_axis_name="s",
        num_cores=_NC, num_subcores=_NS,
    )

    @functools.partial(
        pl.kernel,
        out_type=(
            jax.ShapeDtypeStruct((_NW, per_w), jnp.float32),
            jax.ShapeDtypeStruct((_NW, per_w), jnp.float32),
        ),
        mesh=mesh,
        scratch_types=[
            pltpu.VMEM((per_w,), jnp.int32),
            pltpu.VMEM((per_w,), jnp.float32),
            pltpu.VMEM((per_w,), jnp.float32),
            pltpu.SemaphoreType.DMA,
        ],
    )
    def sc_kernel(t_hbm, ta_hbm, tb_hbm, oa_hbm, ob_hbm,
                  idx_v, a_v, b_v, sem):
        wid = lax.axis_index("s") * _NC + lax.axis_index("c")
        base = wid * per_w
        pltpu.sync_copy(t_hbm.at[pl.ds(base, per_w)], idx_v)
        copies = []
        for j in range(n_chunks):
            sl = pl.ds(j * chunk, chunk)
            copies.append(pltpu.async_copy(ta_hbm.at[idx_v.at[sl]], a_v.at[sl], sem))
            copies.append(pltpu.async_copy(tb_hbm.at[idx_v.at[sl]], b_v.at[sl], sem))
        for c in copies:
            c.wait()
        oa = pltpu.async_copy(a_v, oa_hbm.at[wid], sem)
        ob = pltpu.async_copy(b_v, ob_hbm.at[wid], sem)
        oa.wait()
        ob.wait()

    return sc_kernel(t, table_a, table_b)


def _fma_body(a_ref, b_ref, x_ref, n_ref, o_ref):
    i = pl.program_id(0)
    a_col = jnp.transpose(a_ref[pl.ds(i, 1), :])
    b_col = jnp.transpose(b_ref[pl.ds(i, 1), :])
    o_ref[...] = a_col * x_ref[...] + b_col * n_ref[...]


def _tc_fma(a2, b2, x_start, noise, blk):
    B, D = x_start.shape
    nblk = B // blk
    return pl.pallas_call(
        _fma_body,
        grid=(nblk,),
        in_specs=[
            pl.BlockSpec((nblk, blk), lambda i: (0, 0)),
            pl.BlockSpec((nblk, blk), lambda i: (0, 0)),
            pl.BlockSpec((blk, D), lambda i: (i, 0)),
            pl.BlockSpec((blk, D), lambda i: (i, 0)),
        ],
        out_specs=pl.BlockSpec((blk, D), lambda i: (i, 0)),
        out_shape=jax.ShapeDtypeStruct((B, D), jnp.float32),
    )(a2, b2, x_start, noise)


def kernel(x_start, t, noise, sqrt_alphas_cumprod, sqrt_one_minus_alphas_cumprod):
    B, _ = x_start.shape
    a_c, b_c = _sc_gather_coeffs(
        t, sqrt_alphas_cumprod, sqrt_one_minus_alphas_cumprod, chunk=64
    )
    return _tc_fma(a_c, b_c, x_start, noise, blk=512)

# --- scband reference (transcript-rebuilt; emitter-appended) ---
"""Pipeline reference for scband-continuous-scheduler-66374424593032 (READ-ONLY COPY).

The authoritative reference and input builder live on the scoring server;
editing this copy changes nothing except your own understanding.
"""

import jax, jax.numpy as jnp
import numpy as np
import math


def _cosine_beta_schedule(timesteps, s=0.008):
    steps = timesteps + 1
    x = jnp.linspace(0.0, float(timesteps), steps)
    alphas_cumprod = jnp.cos((x / timesteps + s) / (1 + s) * math.pi * 0.5) ** 2
    alphas_cumprod = alphas_cumprod / alphas_cumprod[0]
    betas = 1.0 - alphas_cumprod[1:] / alphas_cumprod[:-1]
    return jnp.clip(betas, 0.0001, 0.9999)


def setup_inputs(seed: int = 0) -> dict:
    key = jax.random.key(seed)
    k1, k2, k3 = jax.random.split(key, 3)
    B, D = 16384, 2048
    T = 1000
    x_start = jax.random.normal(k1, (B, D), dtype=jnp.float32)
    noise = jax.random.normal(k2, (B, D), dtype=jnp.float32)
    t = jax.random.randint(k3, (B,), 0, T, dtype=jnp.int32)
    # precompute buffers exactly as the torch module does in __init__
    betas = _cosine_beta_schedule(T)
    alphas = 1.0 - betas
    alphas_cumprod = jnp.cumprod(alphas, axis=0)
    sqrt_alphas_cumprod = jnp.sqrt(alphas_cumprod).astype(jnp.float32)
    sqrt_one_minus_alphas_cumprod = jnp.sqrt(1.0 - alphas_cumprod).astype(jnp.float32)
    return {
        "x_start": x_start,
        "t": t,
        "noise": noise,
        "sqrt_alphas_cumprod": sqrt_alphas_cumprod,
        "sqrt_one_minus_alphas_cumprod": sqrt_one_minus_alphas_cumprod,
    }


def reference(x_start, t, noise, sqrt_alphas_cumprod, sqrt_one_minus_alphas_cumprod):
    # _extract: gather per-sample coefficient from the 1-D schedule table,
    # reshape to broadcast over trailing dims of x_start
    batch_size = t.shape[0]
    a = jnp.take(sqrt_alphas_cumprod, t, axis=0).reshape(
        (batch_size,) + (1,) * (x_start.ndim - 1)
    )
    b = jnp.take(sqrt_one_minus_alphas_cumprod, t, axis=0).reshape(
        (batch_size,) + (1,) * (x_start.ndim - 1)
    )
    # q_sample: x_t = sqrt(bar_alpha_t) * x_0 + sqrt(1 - bar_alpha_t) * eps
    return a * x_start + b * noise

if __name__ == "__main__":
    import jax
    _d = setup_inputs()
    print(jax.jit(kernel)(*tuple(_d.values())))

</pallas_src>

<mosaic_0001>
#map = affine_map<(d0, d1) -> (0)>
#map1 = affine_map<(d0, d1) -> (0, 0)>
module attributes {stable_mosaic.version = 14 : i64} {
  func.func @sc_kernel(%arg0: i32, %arg1: i32, %arg2: memref<16384xi32, #tpu.memory_space<hbm>>, %arg3: memref<1000xf32, #tpu.memory_space<hbm>>, %arg4: memref<1000xf32, #tpu.memory_space<hbm>>, %arg5: memref<32x512xf32, #tpu.memory_space<hbm>>, %arg6: memref<32x512xf32, #tpu.memory_space<hbm>>, %arg7: memref<512xi32, #tpu.memory_space<vmem>>, %arg8: memref<512xf32, #tpu.memory_space<vmem>>, %arg9: memref<512xf32, #tpu.memory_space<vmem>>, %arg10: memref<!tpu.dma_semaphore, #tpu.memory_space<semaphore_mem>>) attributes {dimension_semantics = [#tpu.dimension_semantics<core_parallel>, #tpu.dimension_semantics<subcore_parallel>], iteration_bounds = array<i64: 2, 16>, scalar_prefetch = 0 : i64, scratch_operands = 4 : i64, tpu.core_type = #tpu.core_type<sc_vector_subcore>, window_params = [{transform_indices = #map}, {transform_indices = #map}, {transform_indices = #map}, {transform_indices = #map1}, {transform_indices = #map1}]} {
    %mul3A = arith.constant 2 : i32
    %mul3A_0 = arith.muli %arg1, %mul3A : i32
    %add3A = arith.addi %mul3A_0, %arg0 : i32
    %mul3A_1 = arith.constant 512 : i32
    %mul3A_2 = arith.muli %add3A, %mul3A_1 : i32
    "tpu.region"() ({
      %run_scoped3A = tpu.sem_alloc : memref<!tpu.dma_semaphore, #tpu.memory_space<semaphore_mem>>
      %dma_start3A_217 = tpu.memref_slice %arg2[%mul3A_2] : memref<16384xi32, #tpu.memory_space<hbm>> -> memref<512xi32, #tpu.memory_space<hbm>>
      %dma_start3A_218 = tpu.memref_slice %arg2[%mul3A_2] : memref<16384xi32, #tpu.memory_space<hbm>> -> memref<512xi32, #tpu.memory_space<hbm>>
      tpu.enqueue_dma source(%dma_start3A_218 : memref<512xi32, #tpu.memory_space<hbm>>) target(%arg7 : memref<512xi32, #tpu.memory_space<vmem>>) target_semaphore(%run_scoped3A : memref<!tpu.dma_semaphore, #tpu.memory_space<semaphore_mem>>)
      %dma_wait3A_219 = tpu.memref_slice %arg2[%mul3A_2] : memref<16384xi32, #tpu.memory_space<hbm>> -> memref<512xi32, #tpu.memory_space<hbm>>
      %dma_wait3A_220 = tpu.memref_slice %arg2[%mul3A_2] : memref<16384xi32, #tpu.memory_space<hbm>> -> memref<512xi32, #tpu.memory_space<hbm>>
      tpu.wait_dma2 semaphore(%run_scoped3A : memref<!tpu.dma_semaphore, #tpu.memory_space<semaphore_mem>>) src(%dma_wait3A_220 : memref<512xi32, #tpu.memory_space<hbm>>) dst(%arg7 : memref<512xi32, #tpu.memory_space<vmem>>)
      tpu.yield
    }) : () -> ()
    %dma_start3A = arith.constant 0 : i32
    %dma_start3A_3 = tpu.memref_slice %arg8[%dma_start3A] : memref<512xf32, #tpu.memory_space<vmem>> -> memref<64xf32, #tpu.memory_space<vmem>>
    %dma_start3A_4 = arith.constant 0 : i32
    %dma_start3A_5 = tpu.memref_slice %arg7[%dma_start3A_4] : memref<512xi32, #tpu.memory_space<vmem>> -> memref<64xi32, #tpu.memory_space<vmem>>
    %dma_start3A_6 = arith.constant 0 : i32
    %dma_start3A_7 = tpu.memref_slice %arg3[%dma_start3A_6] : memref<1000xf32, #tpu.memory_space<hbm>> -> memref<1000xf32, #tpu.memory_space<hbm>>
    tpu.enqueue_indirect_dma source(%dma_start3A_7 : memref<1000xf32, #tpu.memory_space<hbm>>) target(%dma_start3A_3 : memref<64xf32, #tpu.memory_space<vmem>>) offsets(%dma_start3A_5 : memref<64xi32, #tpu.memory_space<vmem>>) semaphore(%arg10 : memref<!tpu.dma_semaphore, #tpu.memory_space<semaphore_mem>>)
    %dma_start3A_8 = arith.constant 0 : i32
    %dma_start3A_9 = tpu.memref_slice %arg9[%dma_start3A_8] : memref<512xf32, #tpu.memory_space<vmem>> -> memref<64xf32, #tpu.memory_space<vmem>>
    %dma_start3A_10 = arith.constant 0 : i32
    %dma_start3A_11 = tpu.memref_slice %arg7[%dma_start3A_10] : memref<512xi32, #tpu.memory_space<vmem>> -> memref<64xi32, #tpu.memory_space<vmem>>
    %dma_start3A_12 = arith.constant 0 : i32
    %dma_start3A_13 = tpu.memref_slice %arg4[%dma_start3A_12] : memref<1000xf32, #tpu.memory_space<hbm>> -> memref<1000xf32, #tpu.memory_space<hbm>>
    tpu.enqueue_indirect_dma source(%dma_start3A_13 : memref<1000xf32, #tpu.memory_space<hbm>>) target(%dma_start3A_9 : memref<64xf32, #tpu.memory_space<vmem>>) offsets(%dma_start3A_11 : memref<64xi32, #tpu.memory_space<vmem>>) semaphore(%arg10 : memref<!tpu.dma_semaphore, #tpu.memory_space<semaphore_mem>>)
    %dma_start3A_14 = arith.constant 64 : i32
    %dma_start3A_15 = tpu.memref_slice %arg8[%dma_start3A_14] : memref<512xf32, #tpu.memory_space<vmem>> -> memref<64xf32, #tpu.memory_space<vmem>>
    %dma_start3A_16 = arith.constant 64 : i32
    %dma_start3A_17 = tpu.memref_slice %arg7[%dma_start3A_16] : memref<512xi32, #tpu.memory_space<vmem>> -> memref<64xi32, #tpu.memory_space<vmem>>
    %dma_start3A_18 = arith.constant 0 : i32
    %dma_start3A_19 = tpu.memref_slice %arg3[%dma_start3A_18] : memref<1000xf32, #tpu.memory_space<hbm>> -> memref<1000xf32, #tpu.memory_space<hbm>>
    tpu.enqueue_indirect_dma source(%dma_start3A_19 : memref<1000xf32, #tpu.memory_space<hbm>>) target(%dma_start3A_15 : memref<64xf32, #tpu.memory_space<vmem>>) offsets(%dma_start3A_17 : memref<64xi32, #tpu.memory_space<vmem>>) semaphore(%arg10 : memref<!tpu.dma_semaphore, #tpu.memory_space<semaphore_mem>>)
    %dma_start3A_20 = arith.constant 64 : i32
    %dma_start3A_21 = tpu.memref_slice %arg9[%dma_start3A_20] : memref<512xf32, #tpu.memory_space<vmem>> -> memref<64xf32, #tpu.memory_space<vmem>>
    %dma_start3A_22 = arith.constant 64 : i32
    %dma_start3A_23 = tpu.memref_slice %arg7[%dma_start3A_22] : memref<512xi32, #tpu.memory_space<vmem>> -> memref<64xi32, #tpu.memory_space<vmem>>
    %dma_start3A_24 = arith.constant 0 : i32
    %dma_start3A_25 = tpu.memref_slice %arg4[%dma_start3A_24] : memref<1000xf32, #tpu.memory_space<hbm>> -> memref<1000xf32, #tpu.memory_space<hbm>>
    tpu.enqueue_indirect_dma source(%dma_start3A_25 : memref<1000xf32, #tpu.memory_space<hbm>>) target(%dma_start3A_21 : memref<64xf32, #tpu.memory_space<vmem>>) offsets(%dma_start3A_23 : memref<64xi32, #tpu.memory_space<vmem>>) semaphore(%arg10 : memref<!tpu.dma_semaphore, #tpu.memory_space<semaphore_mem>>)
    %dma_start3A_26 = arith.constant 128 : i32
    %dma_start3A_27 = tpu.memref_slice %arg8[%dma_start3A_26] : memref<512xf32, #tpu.memory_space<vmem>> -> memref<64xf32, #tpu.memory_space<vmem>>
    %dma_start3A_28 = arith.constant 128 : i32
    %dma_start3A_29 = tpu.memref_slice %arg7[%dma_start3A_28] : memref<512xi32, #tpu.memory_space<vmem>> -> memref<64xi32, #tpu.memory_space<vmem>>
    %dma_start3A_30 = arith.constant 0 : i32
    %dma_start3A_31 = tpu.memref_slice %arg3[%dma_start3A_30] : memref<1000xf32, #tpu.memory_space<hbm>> -> memref<1000xf32, #tpu.memory_space<hbm>>
    tpu.enqueue_indirect_dma source(%dma_start3A_31 : memref<1000xf32, #tpu.memory_space<hbm>>) target(%dma_start3A_27 : memref<64xf32, #tpu.memory_space<vmem>>) offsets(%dma_start3A_29 : memref<64xi32, #tpu.memory_space<vmem>>) semaphore(%arg10 : memref<!tpu.dma_semaphore, #tpu.memory_space<semaphore_mem>>)
    %dma_start3A_32 = arith.constant 128 : i32
    %dma_start3A_33 = tpu.memref_slice %arg9[%dma_start3A_32] : memref<512xf32, #tpu.memory_space<vmem>> -> memref<64xf32, #tpu.memory_space<vmem>>
    %dma_start3A_34 = arith.constant 128 : i32
    %dma_start3A_35 = tpu.memref_slice %arg7[%dma_start3A_34] : memref<512xi32, #tpu.memory_space<vmem>> -> memref<64xi32, #tpu.memory_space<vmem>>
    %dma_start3A_36 = arith.constant 0 : i32
    %dma_start3A_37 = tpu.memref_slice %arg4[%dma_start3A_36] : memref<1000xf32, #tpu.memory_space<hbm>> -> memref<1000xf32, #tpu.memory_space<hbm>>
    tpu.enqueue_indirect_dma source(%dma_start3A_37 : memref<1000xf32, #tpu.memory_space<hbm>>) target(%dma_start3A_33 : memref<64xf32, #tpu.memory_space<vmem>>) offsets(%dma_start3A_35 : memref<64xi32, #tpu.memory_space<vmem>>) semaphore(%arg10 : memref<!tpu.dma_semaphore, #tpu.memory_space<semaphore_mem>>)
    %dma_start3A_38 = arith.constant 192 : i32
    %dma_start3A_39 = tpu.memref_slice %arg8[%dma_start3A_38] : memref<512xf32, #tpu.memory_space<vmem>> -> memref<64xf32, #tpu.memory_space<vmem>>
    %dma_start3A_40 = arith.constant 192 : i32
    %dma_start3A_41 = tpu.memref_slice %arg7[%dma_start3A_40] : memref<512xi32, #tpu.memory_space<vmem>> -> memref<64xi32, #tpu.memory_space<vmem>>
    %dma_start3A_42 = arith.constant 0 : i32
    %dma_start3A_43 = tpu.memref_slice %arg3[%dma_start3A_42] : memref<1000xf32, #tpu.memory_space<hbm>> -> memref<1000xf32, #tpu.memory_space<hbm>>
    tpu.enqueue_indirect_dma source(%dma_start3A_43 : memref<1000xf32, #tpu.memory_space<hbm>>) target(%dma_start3A_39 : memref<64xf32, #tpu.memory_space<vmem>>) offsets(%dma_start3A_41 : memref<64xi32, #tpu.memory_space<vmem>>) semaphore(%arg10 : memref<!tpu.dma_semaphore, #tpu.memory_space<semaphore_mem>>)
    %dma_start3A_44 = arith.constant 192 : i32
    %dma_start3A_45 = tpu.memref_slice %arg9[%dma_start3A_44] : memref<512xf32, #tpu.memory_space<vmem>> -> memref<64xf32, #tpu.memory_space<vmem>>
    %dma_start3A_46 = arith.constant 192 : i32
    %dma_start3A_47 = tpu.memref_slice %arg7[%dma_start3A_46] : memref<512xi32, #tpu.memory_space<vmem>> -> memref<64xi32, #tpu.memory_space<vmem>>
    %dma_start3A_48 = arith.constant 0 : i32
    %dma_start3A_49 = tpu.memref_slice %arg4[%dma_start3A_48] : memref<1000xf32, #tpu.memory_space<hbm>> -> memref<1000xf32, #tpu.memory_space<hbm>>
    tpu.enqueue_indirect_dma source(%dma_start3A_49 : memref<1000xf32, #tpu.memory_space<hbm>>) target(%dma_start3A_45 : memref<64xf32, #tpu.memory_space<vmem>>) offsets(%dma_start3A_47 : memref<64xi32, #tpu.memory_space<vmem>>) semaphore(%arg10 : memref<!tpu.dma_semaphore, #tpu.memory_space<semaphore_mem>>)
    %dma_start3A_50 = arith.constant 256 : i32
    %dma_start3A_51 = tpu.memref_slice %arg8[%dma_start3A_50] : memref<512xf32, #tpu.memory_space<vmem>> -> memref<64xf32, #tpu.memory_space<vmem>>
    %dma_start3A_52 = arith.constant 256 : i32
    %dma_start3A_53 = tpu.memref_slice %arg7[%dma_start3A_52] : memref<512xi32, #tpu.memory_space<vmem>> -> memref<64xi32, #tpu.memory_space<vmem>>
    %dma_start3A_54 = arith.constant 0 : i32
    %dma_start3A_55 = tpu.memref_slice %arg3[%dma_start3A_54] : memref<1000xf32, #tpu.memory_space<hbm>> -> memref<1000xf32, #tpu.memory_space<hbm>>
    tpu.enqueue_indirect_dma source(%dma_start3A_55 : memref<1000xf32, #tpu.memory_space<hbm>>) target(%dma_start3A_51 : memref<64xf32, #tpu.memory_space<vmem>>) offsets(%dma_start3A_53 : memref<64xi32, #tpu.memory_space<vmem>>) semaphore(%arg10 : memref<!tpu.dma_semaphore, #tpu.memory_space<semaphore_mem>>)
    %dma_start3A_56 = arith.constant 256 : i32
    %dma_start3A_57 = tpu.memref_slice %arg9[%dma_start3A_56] : memref<512xf32, #tpu.memory_space<vmem>> -> memref<64xf32, #tpu.memory_space<vmem>>
    %dma_start3A_58 = arith.constant 256 : i32
    %dma_start3A_59 = tpu.memref_slice %arg7[%dma_start3A_58] : memref<512xi32, #tpu.memory_space<vmem>> -> memref<64xi32, #tpu.memory_space<vmem>>
    %dma_start3A_60 = arith.constant 0 : i32
    %dma_start3A_61 = tpu.memref_slice %arg4[%dma_start3A_60] : memref<1000xf32, #tpu.memory_space<hbm>> -> memref<1000xf32, #tpu.memory_space<hbm>>
    tpu.enqueue_indirect_dma source(%dma_start3A_61 : memref<1000xf32, #tpu.memory_space<hbm>>) target(%dma_start3A_57 : memref<64xf32, #tpu.memory_space<vmem>>) offsets(%dma_start3A_59 : memref<64xi32, #tpu.memory_space<vmem>>) semaphore(%arg10 : memref<!tpu.dma_semaphore, #tpu.memory_space<semaphore_mem>>)
    %dma_start3A_62 = arith.constant 320 : i32
    %dma_start3A_63 = tpu.memref_slice %arg8[%dma_start3A_62] : memref<512xf32, #tpu.memory_space<vmem>> -> memref<64xf32, #tpu.memory_space<vmem>>
    %dma_start3A_64 = arith.constant 320 : i32
    %dma_start3A_65 = tpu.memref_slice %arg7[%dma_start3A_64] : memref<512xi32, #tpu.memory_space<vmem>> -> memref<64xi32, #tpu.memory_space<vmem>>
    %dma_start3A_66 = arith.constant 0 : i32
    %dma_start3A_67 = tpu.memref_slice %arg3[%dma_start3A_66] : memref<1000xf32, #tpu.memory_space<hbm>> -> memref<1000xf32, #tpu.memory_space<hbm>>
    tpu.enqueue_indirect_dma source(%dma_start3A_67 : memref<1000xf32, #tpu.memory_space<hbm>>) target(%dma_start3A_63 : memref<64xf32, #tpu.memory_space<vmem>>) offsets(%dma_start3A_65 : memref<64xi32, #tpu.memory_space<vmem>>) semaphore(%arg10 : memref<!tpu.dma_semaphore, #tpu.memory_space<semaphore_mem>>)
    %dma_start3A_68 = arith.constant 320 : i32
    %dma_start3A_69 = tpu.memref_slice %arg9[%dma_start3A_68] : memref<512xf32, #tpu.memory_space<vmem>> -> memref<64xf32, #tpu.memory_space<vmem>>
    %dma_start3A_70 = arith.constant 320 : i32
    %dma_start3A_71 = tpu.memref_slice %arg7[%dma_start3A_70] : memref<512xi32, #tpu.memory_space<vmem>> -> memref<64xi32, #tpu.memory_space<vmem>>
    %dma_start3A_72 = arith.constant 0 : i32
    %dma_start3A_73 = tpu.memref_slice %arg4[%dma_start3A_72] : memref<1000xf32, #tpu.memory_space<hbm>> -> memref<1000xf32, #tpu.memory_space<hbm>>
    tpu.enqueue_indirect_dma source(%dma_start3A_73 : memref<1000xf32, #tpu.memory_space<hbm>>) target(%dma_start3A_69 : memref<64xf32, #tpu.memory_space<vmem>>) offsets(%dma_start3A_71 : memref<64xi32, #tpu.memory_space<vmem>>) semaphore(%arg10 : memref<!tpu.dma_semaphore, #tpu.memory_space<semaphore_mem>>)
    %dma_start3A_74 = arith.constant 384 : i32
    %dma_start3A_75 = tpu.memref_slice %arg8[%dma_start3A_74] : memref<512xf32, #tpu.memory_space<vmem>> -> memref<64xf32, #tpu.memory_space<vmem>>
    %dma_start3A_76 = arith.constant 384 : i32
    %dma_start3A_77 = tpu.memref_slice %arg7[%dma_start3A_76] : memref<512xi32, #tpu.memory_space<vmem>> -> memref<64xi32, #tpu.memory_space<vmem>>
    %dma_start3A_78 = arith.constant 0 : i32
    %dma_start3A_79 = tpu.memref_slice %arg3[%dma_start3A_78] : memref<1000xf32, #tpu.memory_space<hbm>> -> memref<1000xf32, #tpu.memory_space<hbm>>
    tpu.enqueue_indirect_dma source(%dma_start3A_79 : memref<1000xf32, #tpu.memory_space<hbm>>) target(%dma_start3A_75 : memref<64xf32, #tpu.memory_space<vmem>>) offsets(%dma_start3A_77 : memref<64xi32, #tpu.memory_space<vmem>>) semaphore(%arg10 : memref<!tpu.dma_semaphore, #tpu.memory_space<semaphore_mem>>)
    %dma_start3A_80 = arith.constant 384 : i32
    %dma_start3A_81 = tpu.memref_slice %arg9[%dma_start3A_80] : memref<512xf32, #tpu.memory_space<vmem>> -> memref<64xf32, #tpu.memory_space<vmem>>
    %dma_start3A_82 = arith.constant 384 : i32
    %dma_start3A_83 = tpu.memref_slice %arg7[%dma_start3A_82] : memref<512xi32, #tpu.memory_space<vmem>> -> memref<64xi32, #tpu.memory_space<vmem>>
    %dma_start3A_84 = arith.constant 0 : i32
    %dma_start3A_85 = tpu.memref_slice %arg4[%dma_start3A_84] : memref<1000xf32, #tpu.memory_space<hbm>> -> memref<1000xf32, #tpu.memory_space<hbm>>
    tpu.enqueue_indirect_dma source(%dma_start3A_85 : memref<1000xf32, #tpu.memory_space<hbm>>) target(%dma_start3A_81 : memref<64xf32, #tpu.memory_space<vmem>>) offsets(%dma_start3A_83 : memref<64xi32, #tpu.memory_space<vmem>>) semaphore(%arg10 : memref<!tpu.dma_semaphore, #tpu.memory_space<semaphore_mem>>)
    %dma_start3A_86 = arith.constant 448 : i32
    %dma_start3A_87 = tpu.memref_slice %arg8[%dma_start3A_86] : memref<512xf32, #tpu.memory_space<vmem>> -> memref<64xf32, #tpu.memory_space<vmem>>
    %dma_start3A_88 = arith.constant 448 : i32
    %dma_start3A_89 = tpu.memref_slice %arg7[%dma_start3A_88] : memref<512xi32, #tpu.memory_space<vmem>> -> memref<64xi32, #tpu.memory_space<vmem>>
    %dma_start3A_90 = arith.constant 0 : i32
    %dma_start3A_91 = tpu.memref_slice %arg3[%dma_start3A_90] : memref<1000xf32, #tpu.memory_space<hbm>> -> memref<1000xf32, #tpu.memory_space<hbm>>
    tpu.enqueue_indirect_dma source(%dma_start3A_91 : memref<1000xf32, #tpu.memory_space<hbm>>) target(%dma_start3A_87 : memref<64xf32, #tpu.memory_space<vmem>>) offsets(%dma_start3A_89 : memref<64xi32, #tpu.memory_space<vmem>>) semaphore(%arg10 : memref<!tpu.dma_semaphore, #tpu.memory_space<semaphore_mem>>)
    %dma_start3A_92 = arith.constant 448 : i32
    %dma_start3A_93 = tpu.memref_slice %arg9[%dma_start3A_92] : memref<512xf32, #tpu.memory_space<vmem>> -> memref<64xf32, #tpu.memory_space<vmem>>
    %dma_start3A_94 = arith.constant 448 : i32
    %dma_start3A_95 = tpu.memref_slice %arg7[%dma_start3A_94] : memref<512xi32, #tpu.memory_space<vmem>> -> memref<64xi32, #tpu.memory_space<vmem>>
    %dma_start3A_96 = arith.constant 0 : i32
    %dma_start3A_97 = tpu.memref_slice %arg4[%dma_start3A_96] : memref<1000xf32, #tpu.memory_space<hbm>> -> memref<1000xf32, #tpu.memory_space<hbm>>
    tpu.enqueue_indirect_dma source(%dma_start3A_97 : memref<1000xf32, #tpu.memory_space<hbm>>) target(%dma_start3A_93 : memref<64xf32, #tpu.memory_space<vmem>>) offsets(%dma_start3A_95 : memref<64xi32, #tpu.memory_space<vmem>>) semaphore(%arg10 : memref<!tpu.dma_semaphore, #tpu.memory_space<semaphore_mem>>)
    %dma_wait3A = arith.constant 0 : i32
    %dma_wait3A_98 = tpu.memref_slice %arg8[%dma_wait3A] : memref<512xf32, #tpu.memory_space<vmem>> -> memref<64xf32, #tpu.memory_space<vmem>>
    %dma_wait3A_99 = arith.constant 0 : i32
    %dma_wait3A_100 = tpu.memref_slice %arg7[%dma_wait3A_99] : memref<512xi32, #tpu.memory_space<vmem>> -> memref<64xi32, #tpu.memory_space<vmem>>
    %dma_wait3A_101 = arith.constant 0 : i32
    %dma_wait3A_102 = tpu.memref_slice %arg3[%dma_wait3A_101] : memref<1000xf32, #tpu.memory_space<hbm>> -> memref<1000xf32, #tpu.memory_space<hbm>>
    tpu.wait_indirect_dma semaphore(%arg10 : memref<!tpu.dma_semaphore, #tpu.memory_space<semaphore_mem>>) src(%dma_wait3A_102 : memref<1000xf32, #tpu.memory_space<hbm>>) dst(%dma_wait3A_98 : memref<64xf32, #tpu.memory_space<vmem>>)
    %dma_wait3A_103 = arith.constant 0 : i32
    %dma_wait3A_104 = tpu.memref_slice %arg9[%dma_wait3A_103] : memref<512xf32, #tpu.memory_space<vmem>> -> memref<64xf32, #tpu.memory_space<vmem>>
    %dma_wait3A_105 = arith.constant 0 : i32
    %dma_wait3A_106 = tpu.memref_slice %arg7[%dma_wait3A_105] : memref<512xi32, #tpu.memory_space<vmem>> -> memref<64xi32, #tpu.memory_space<vmem>>
    %dma_wait3A_107 = arith.constant 0 : i32
    %dma_wait3A_108 = tpu.memref_slice %arg4[%dma_wait3A_107] : memref<1000xf32, #tpu.memory_space<hbm>> -> memref<1000xf32, #tpu.memory_space<hbm>>
    tpu.wait_indirect_dma semaphore(%arg10 : memref<!tpu.dma_semaphore, #tpu.memory_space<semaphore_mem>>) src(%dma_wait3A_108 : memref<1000xf32, #tpu.memory_space<hbm>>) dst(%dma_wait3A_104 : memref<64xf32, #tpu.memory_space<vmem>>)
    %dma_wait3A_109 = arith.constant 64 : i32
    %dma_wait3A_110 = tpu.memref_slice %arg8[%dma_wait3A_109] : memref<512xf32, #tpu.memory_space<vmem>> -> memref<64xf32, #tpu.memory_space<vmem>>
    %dma_wait3A_111 = arith.constant 64 : i32
    %dma_wait3A_112 = tpu.memref_slice %arg7[%dma_wait3A_111] : memref<512xi32, #tpu.memory_space<vmem>> -> memref<64xi32, #tpu.memory_space<vmem>>
    %dma_wait3A_113 = arith.constant 0 : i32
    %dma_wait3A_114 = tpu.memref_slice %arg3[%dma_wait3A_113] : memref<1000xf32, #tpu.memory_space<hbm>> -> memref<1000xf32, #tpu.memory_space<hbm>>
    tpu.wait_indirect_dma semaphore(%arg10 : memref<!tpu.dma_semaphore, #tpu.memory_space<semaphore_mem>>) src(%dma_wait3A_114 : memref<1000xf32, #tpu.memory_space<hbm>>) dst(%dma_wait3A_110 : memref<64xf32, #tpu.memory_space<vmem>>)
    %dma_wait3A_115 = arith.constant 64 : i32
    %dma_wait3A_116 = tpu.memref_slice %arg9[%dma_wait3A_115] : memref<512xf32, #tpu.memory_space<vmem>> -> memref<64xf32, #tpu.memory_space<vmem>>
    %dma_wait3A_117 = arith.constant 64 : i32
    %dma_wait3A_118 = tpu.memref_slice %arg7[%dma_wait3A_117] : memref<512xi32, #tpu.memory_space<vmem>> -> memref<64xi32, #tpu.memory_space<vmem>>
    %dma_wait3A_119 = arith.constant 0 : i32
    %dma_wait3A_120 = tpu.memref_slice %arg4[%dma_wait3A_119] : memref<1000xf32, #tpu.memory_space<hbm>> -> memref<1000xf32, #tpu.memory_space<hbm>>
    tpu.wait_indirect_dma semaphore(%arg10 : memref<!tpu.dma_semaphore, #tpu.memory_space<semaphore_mem>>) src(%dma_wait3A_120 : memref<1000xf32, #tpu.memory_space<hbm>>) dst(%dma_wait3A_116 : memref<64xf32, #tpu.memory_space<vmem>>)
    %dma_wait3A_121 = arith.constant 128 : i32
    %dma_wait3A_122 = tpu.memref_slice %arg8[%dma_wait3A_121] : memref<512xf32, #tpu.memory_space<vmem>> -> memref<64xf32, #tpu.memory_space<vmem>>
    %dma_wait3A_123 = arith.constant 128 : i32
    %dma_wait3A_124 = tpu.memref_slice %arg7[%dma_wait3A_123] : memref<512xi32, #tpu.memory_space<vmem>> -> memref<64xi32, #tpu.memory_space<vmem>>
    %dma_wait3A_125 = arith.constant 0 : i32
    %dma_wait3A_126 = tpu.memref_slice %arg3[%dma_wait3A_125] : memref<1000xf32, #tpu.memory_space<hbm>> -> memref<1000xf32, #tpu.memory_space<hbm>>
    tpu.wait_indirect_dma semaphore(%arg10 : memref<!tpu.dma_semaphore, #tpu.memory_space<semaphore_mem>>) src(%dma_wait3A_126 : memref<1000xf32, #tpu.memory_space<hbm>>) dst(%dma_wait3A_122 : memref<64xf32, #tpu.memory_space<vmem>>)
    %dma_wait3A_127 = arith.constant 128 : i32
    %dma_wait3A_128 = tpu.memref_slice %arg9[%dma_wait3A_127] : memref<512xf32, #tpu.memory_space<vmem>> -> memref<64xf32, #tpu.memory_space<vmem>>
    %dma_wait3A_129 = arith.constant 128 : i32
    %dma_wait3A_130 = tpu.memref_slice %arg7[%dma_wait3A_129] : memref<512xi32, #tpu.memory_space<vmem>> -> memref<64xi32, #tpu.memory_space<vmem>>
    %dma_wait3A_131 = arith.constant 0 : i32
    %dma_wait3A_132 = tpu.memref_slice %arg4[%dma_wait3A_131] : memref<1000xf32, #tpu.memory_space<hbm>> -> memref<1000xf32, #tpu.memory_space<hbm>>
    tpu.wait_indirect_dma semaphore(%arg10 : memref<!tpu.dma_semaphore, #tpu.memory_space<semaphore_mem>>) src(%dma_wait3A_132 : memref<1000xf32, #tpu.memory_space<hbm>>) dst(%dma_wait3A_128 : memref<64xf32, #tpu.memory_space<vmem>>)
    %dma_wait3A_133 = arith.constant 192 : i32
    %dma_wait3A_134 = tpu.memref_slice %arg8[%dma_wait3A_133] : memref<512xf32, #tpu.memory_space<vmem>> -> memref<64xf32, #tpu.memory_space<vmem>>
    %dma_wait3A_135 = arith.constant 192 : i32
    %dma_wait3A_136 = tpu.memref_slice %arg7[%dma_wait3A_135] : memref<512xi32, #tpu.memory_space<vmem>> -> memref<64xi32, #tpu.memory_space<vmem>>
    %dma_wait3A_137 = arith.constant 0 : i32
    %dma_wait3A_138 = tpu.memref_slice %arg3[%dma_wait3A_137] : memref<1000xf32, #tpu.memory_space<hbm>> -> memref<1000xf32, #tpu.memory_space<hbm>>
    tpu.wait_indirect_dma semaphore(%arg10 : memref<!tpu.dma_semaphore, #tpu.memory_space<semaphore_mem>>) src(%dma_wait3A_138 : memref<1000xf32, #tpu.memory_space<hbm>>) dst(%dma_wait3A_134 : memref<64xf32, #tpu.memory_space<vmem>>)
    %dma_wait3A_139 = arith.constant 192 : i32
    %dma_wait3A_140 = tpu.memref_slice %arg9[%dma_wait3A_139] : memref<512xf32, #tpu.memory_space<vmem>> -> memref<64xf32, #tpu.memory_space<vmem>>
    %dma_wait3A_141 = arith.constant 192 : i32
    %dma_wait3A_142 = tpu.memref_slice %arg7[%dma_wait3A_141] : memref<512xi32, #tpu.memory_space<vmem>> -> memref<64xi32, #tpu.memory_space<vmem>>
    %dma_wait3A_143 = arith.constant 0 : i32
    %dma_wait3A_144 = tpu.memref_slice %arg4[%dma_wait3A_143] : memref<1000xf32, #tpu.memory_space<hbm>> -> memref<1000xf32, #tpu.memory_space<hbm>>
    tpu.wait_indirect_dma semaphore(%arg10 : memref<!tpu.dma_semaphore, #tpu.memory_space<semaphore_mem>>) src(%dma_wait3A_144 : memref<1000xf32, #tpu.memory_space<hbm>>) dst(%dma_wait3A_140 : memref<64xf32, #tpu.memory_space<vmem>>)
    %dma_wait3A_145 = arith.constant 256 : i32
    %dma_wait3A_146 = tpu.memref_slice %arg8[%dma_wait3A_145] : memref<512xf32, #tpu.memory_space<vmem>> -> memref<64xf32, #tpu.memory_space<vmem>>
    %dma_wait3A_147 = arith.constant 256 : i32
    %dma_wait3A_148 = tpu.memref_slice %arg7[%dma_wait3A_147] : memref<512xi32, #tpu.memory_space<vmem>> -> memref<64xi32, #tpu.memory_space<vmem>>
    %dma_wait3A_149 = arith.constant 0 : i32
    %dma_wait3A_150 = tpu.memref_slice %arg3[%dma_wait3A_149] : memref<1000xf32, #tpu.memory_space<hbm>> -> memref<1000xf32, #tpu.memory_space<hbm>>
    tpu.wait_indirect_dma semaphore(%arg10 : memref<!tpu.dma_semaphore, #tpu.memory_space<semaphore_mem>>) src(%dma_wait3A_150 : memref<1000xf32, #tpu.memory_space<hbm>>) dst(%dma_wait3A_146 : memref<64xf32, #tpu.memory_space<vmem>>)
    %dma_wait3A_151 = arith.constant 256 : i32
    %dma_wait3A_152 = tpu.memref_slice %arg9[%dma_wait3A_151] : memref<512xf32, #tpu.memory_space<vmem>> -> memref<64xf32, #tpu.memory_space<vmem>>
    %dma_wait3A_153 = arith.constant 256 : i32
    %dma_wait3A_154 = tpu.memref_slice %arg7[%dma_wait3A_153] : memref<512xi32, #tpu.memory_space<vmem>> -> memref<64xi32, #tpu.memory_space<vmem>>
    %dma_wait3A_155 = arith.constant 0 : i32
    %dma_wait3A_156 = tpu.memref_slice %arg4[%dma_wait3A_155] : memref<1000xf32, #tpu.memory_space<hbm>> -> memref<1000xf32, #tpu.memory_space<hbm>>
    tpu.wait_indirect_dma semaphore(%arg10 : memref<!tpu.dma_semaphore, #tpu.memory_space<semaphore_mem>>) src(%dma_wait3A_156 : memref<1000xf32, #tpu.memory_space<hbm>>) dst(%dma_wait3A_152 : memref<64xf32, #tpu.memory_space<vmem>>)
    %dma_wait3A_157 = arith.constant 320 : i32
    %dma_wait3A_158 = tpu.memref_slice %arg8[%dma_wait3A_157] : memref<512xf32, #tpu.memory_space<vmem>> -> memref<64xf32, #tpu.memory_space<vmem>>
    %dma_wait3A_159 = arith.constant 320 : i32
    %dma_wait3A_160 = tpu.memref_slice %arg7[%dma_wait3A_159] : memref<512xi32, #tpu.memory_space<vmem>> -> memref<64xi32, #tpu.memory_space<vmem>>
    %dma_wait3A_161 = arith.constant 0 : i32
    %dma_wait3A_162 = tpu.memref_slice %arg3[%dma_wait3A_161] : memref<1000xf32, #tpu.memory_space<hbm>> -> memref<1000xf32, #tpu.memory_space<hbm>>
    tpu.wait_indirect_dma semaphore(%arg10 : memref<!tpu.dma_semaphore, #tpu.memory_space<semaphore_mem>>) src(%dma_wait3A_162 : memref<1000xf32, #tpu.memory_space<hbm>>) dst(%dma_wait3A_158 : memref<64xf32, #tpu.memory_space<vmem>>)
    %dma_wait3A_163 = arith.constant 320 : i32
    %dma_wait3A_164 = tpu.memref_slice %arg9[%dma_wait3A_163] : memref<512xf32, #tpu.memory_space<vmem>> -> memref<64xf32, #tpu.memory_space<vmem>>
    %dma_wait3A_165 = arith.constant 320 : i32
    %dma_wait3A_166 = tpu.memref_slice %arg7[%dma_wait3A_165] : memref<512xi32, #tpu.memory_space<vmem>> -> memref<64xi32, #tpu.memory_space<vmem>>
    %dma_wait3A_167 = arith.constant 0 : i32
    %dma_wait3A_168 = tpu.memref_slice %arg4[%dma_wait3A_167] : memref<1000xf32, #tpu.memory_space<hbm>> -> memref<1000xf32, #tpu.memory_space<hbm>>
    tpu.wait_indirect_dma semaphore(%arg10 : memref<!tpu.dma_semaphore, #tpu.memory_space<semaphore_mem>>) src(%dma_wait3A_168 : memref<1000xf32, #tpu.memory_space<hbm>>) dst(%dma_wait3A_164 : memref<64xf32, #tpu.memory_space<vmem>>)
    %dma_wait3A_169 = arith.constant 384 : i32
    %dma_wait3A_170 = tpu.memref_slice %arg8[%dma_wait3A_169] : memref<512xf32, #tpu.memory_space<vmem>> -> memref<64xf32, #tpu.memory_space<vmem>>
    %dma_wait3A_171 = arith.constant 384 : i32
    %dma_wait3A_172 = tpu.memref_slice %arg7[%dma_wait3A_171] : memref<512xi32, #tpu.memory_space<vmem>> -> memref<64xi32, #tpu.memory_space<vmem>>
    %dma_wait3A_173 = arith.constant 0 : i32
    %dma_wait3A_174 = tpu.memref_slice %arg3[%dma_wait3A_173] : memref<1000xf32, #tpu.memory_space<hbm>> -> memref<1000xf32, #tpu.memory_space<hbm>>
    tpu.wait_indirect_dma semaphore(%arg10 : memref<!tpu.dma_semaphore, #tpu.memory_space<semaphore_mem>>) src(%dma_wait3A_174 : memref<1000xf32, #tpu.memory_space<hbm>>) dst(%dma_wait3A_170 : memref<64xf32, #tpu.memory_space<vmem>>)
    %dma_wait3A_175 = arith.constant 384 : i32
    %dma_wait3A_176 = tpu.memref_slice %arg9[%dma_wait3A_175] : memref<512xf32, #tpu.memory_space<vmem>> -> memref<64xf32, #tpu.memory_space<vmem>>
    %dma_wait3A_177 = arith.constant 384 : i32
    %dma_wait3A_178 = tpu.memref_slice %arg7[%dma_wait3A_177] : memref<512xi32, #tpu.memory_space<vmem>> -> memref<64xi32, #tpu.memory_space<vmem>>
    %dma_wait3A_179 = arith.constant 0 : i32
    %dma_wait3A_180 = tpu.memref_slice %arg4[%dma_wait3A_179] : memref<1000xf32, #tpu.memory_space<hbm>> -> memref<1000xf32, #tpu.memory_space<hbm>>
    tpu.wait_indirect_dma semaphore(%arg10 : memref<!tpu.dma_semaphore, #tpu.memory_space<semaphore_mem>>) src(%dma_wait3A_180 : memref<1000xf32, #tpu.memory_space<hbm>>) dst(%dma_wait3A_176 : memref<64xf32, #tpu.memory_space<vmem>>)
    %dma_wait3A_181 = arith.constant 448 : i32
    %dma_wait3A_182 = tpu.memref_slice %arg8[%dma_wait3A_181] : memref<512xf32, #tpu.memory_space<vmem>> -> memref<64xf32, #tpu.memory_space<vmem>>
    %dma_wait3A_183 = arith.constant 448 : i32
    %dma_wait3A_184 = tpu.memref_slice %arg7[%dma_wait3A_183] : memref<512xi32, #tpu.memory_space<vmem>> -> memref<64xi32, #tpu.memory_space<vmem>>
    %dma_wait3A_185 = arith.constant 0 : i32
    %dma_wait3A_186 = tpu.memref_slice %arg3[%dma_wait3A_185] : memref<1000xf32, #tpu.memory_space<hbm>> -> memref<1000xf32, #tpu.memory_space<hbm>>
    tpu.wait_indirect_dma semaphore(%arg10 : memref<!tpu.dma_semaphore, #tpu.memory_space<semaphore_mem>>) src(%dma_wait3A_186 : memref<1000xf32, #tpu.memory_space<hbm>>) dst(%dma_wait3A_182 : memref<64xf32, #tpu.memory_space<vmem>>)
    %dma_wait3A_187 = arith.constant 448 : i32
    %dma_wait3A_188 = tpu.memref_slice %arg9[%dma_wait3A_187] : memref<512xf32, #tpu.memory_space<vmem>> -> memref<64xf32, #tpu.memory_space<vmem>>
    %dma_wait3A_189 = arith.constant 448 : i32
    %dma_wait3A_190 = tpu.memref_slice %arg7[%dma_wait3A_189] : memref<512xi32, #tpu.memory_space<vmem>> -> memref<64xi32, #tpu.memory_space<vmem>>
    %dma_wait3A_191 = arith.constant 0 : i32
    %dma_wait3A_192 = tpu.memref_slice %arg4[%dma_wait3A_191] : memref<1000xf32, #tpu.memory_space<hbm>> -> memref<1000xf32, #tpu.memory_space<hbm>>
    tpu.wait_indirect_dma semaphore(%arg10 : memref<!tpu.dma_semaphore, #tpu.memory_space<semaphore_mem>>) src(%dma_wait3A_192 : memref<1000xf32, #tpu.memory_space<hbm>>) dst(%dma_wait3A_188 : memref<64xf32, #tpu.memory_space<vmem>>)
    %dma_start3A_193 = arith.constant 0 : i32
    %dma_start3A_194 = tpu.memref_slice %arg5[%add3A, %dma_start3A_193] : memref<32x512xf32, #tpu.memory_space<hbm>> -> memref<1x512xf32, #tpu.memory_space<hbm>>
    %dma_start3A_195 = tpu.memref_squeeze %dma_start3A_194 : memref<1x512xf32, #tpu.memory_space<hbm>> -> memref<512xf32, #tpu.memory_space<hbm>>
    %dma_start3A_196 = arith.constant 0 : i32
    %dma_start3A_197 = tpu.memref_slice %arg5[%add3A, %dma_start3A_196] : memref<32x512xf32, #tpu.memory_space<hbm>> -> memref<1x512xf32, #tpu.memory_space<hbm>>
    %dma_start3A_198 = tpu.memref_squeeze %dma_start3A_197 : memref<1x512xf32, #tpu.memory_space<hbm>> -> memref<512xf32, #tpu.memory_space<hbm>>
    tpu.enqueue_dma source(%arg8 : memref<512xf32, #tpu.memory_space<vmem>>) target(%dma_start3A_198 : memref<512xf32, #tpu.memory_space<hbm>>) target_semaphore(%arg10 : memref<!tpu.dma_semaphore, #tpu.memory_space<semaphore_mem>>)
    %dma_start3A_199 = arith.constant 0 : i32
    %dma_start3A_200 = tpu.memref_slice %arg6[%add3A, %dma_start3A_199] : memref<32x512xf32, #tpu.memory_space<hbm>> -> memref<1x512xf32, #tpu.memory_space<hbm>>
    %dma_start3A_201 = tpu.memref_squeeze %dma_start3A_200 : memref<1x512xf32, #tpu.memory_space<hbm>> -> memref<512xf32, #tpu.memory_space<hbm>>
    %dma_start3A_202 = arith.constant 0 : i32
    %dma_start3A_203 = tpu.memref_slice %arg6[%add3A, %dma_start3A_202] : memref<32x512xf32, #tpu.memory_space<hbm>> -> memref<1x512xf32, #tpu.memory_space<hbm>>
    %dma_start3A_204 = tpu.memref_squeeze %dma_start3A_203 : memref<1x512xf32, #tpu.memory_space<hbm>> -> memref<512xf32, #tpu.memory_space<hbm>>
    tpu.enqueue_dma source(%arg9 : memref<512xf32, #tpu.memory_space<vmem>>) target(%dma_start3A_204 : memref<512xf32, #tpu.memory_space<hbm>>) target_semaphore(%arg10 : memref<!tpu.dma_semaphore, #tpu.memory_space<semaphore_mem>>)
    %dma_wait3A_205 = arith.constant 0 : i32
    %dma_wait3A_206 = tpu.memref_slice %arg5[%add3A, %dma_wait3A_205] : memref<32x512xf32, #tpu.memory_space<hbm>> -> memref<1x512xf32, #tpu.memory_space<hbm>>
    %dma_wait3A_207 = tpu.memref_squeeze %dma_wait3A_206 : memref<1x512xf32, #tpu.memory_space<hbm>> -> memref<512xf32, #tpu.memory_space<hbm>>
    %dma_wait3A_208 = arith.constant 0 : i32
    %dma_wait3A_209 = tpu.memref_slice %arg5[%add3A, %dma_wait3A_208] : memref<32x512xf32, #tpu.memory_space<hbm>> -> memref<1x512xf32, #tpu.memory_space<hbm>>
    %dma_wait3A_210 = tpu.memref_squeeze %dma_wait3A_209 : memref<1x512xf32, #tpu.memory_space<hbm>> -> memref<512xf32, #tpu.memory_space<hbm>>
    tpu.wait_dma2 semaphore(%arg10 : memref<!tpu.dma_semaphore, #tpu.memory_space<semaphore_mem>>) src(%arg8 : memref<512xf32, #tpu.memory_space<vmem>>) dst(%dma_wait3A_210 : memref<512xf32, #tpu.memory_space<hbm>>)
    %dma_wait3A_211 = arith.constant 0 : i32
    %dma_wait3A_212 = tpu.memref_slice %arg6[%add3A, %dma_wait3A_211] : memref<32x512xf32, #tpu.memory_space<hbm>> -> memref<1x512xf32, #tpu.memory_space<hbm>>
    %dma_wait3A_213 = tpu.memref_squeeze %dma_wait3A_212 : memref<1x512xf32, #tpu.memory_space<hbm>> -> memref<512xf32, #tpu.memory_space<hbm>>
    %dma_wait3A_214 = arith.constant 0 : i32
    %dma_wait3A_215 = tpu.memref_slice %arg6[%add3A, %dma_wait3A_214] : memref<32x512xf32, #tpu.memory_space<hbm>> -> memref<1x512xf32, #tpu.memory_space<hbm>>
    %dma_wait3A_216 = tpu.memref_squeeze %dma_wait3A_215 : memref<1x512xf32, #tpu.memory_space<hbm>> -> memref<512xf32, #tpu.memory_space<hbm>>
    tpu.wait_dma2 semaphore(%arg10 : memref<!tpu.dma_semaphore, #tpu.memory_space<semaphore_mem>>) src(%arg9 : memref<512xf32, #tpu.memory_space<vmem>>) dst(%dma_wait3A_216 : memref<512xf32, #tpu.memory_space<hbm>>)
    return
  }
}

module attributes {stable_mosaic.version = 14 : i64} {
  func.func @_fma_body(%arg0: i32, %arg1: memref<32x512xf32, #tpu.memory_space<vmem>>, %arg2: memref<32x512xf32, #tpu.memory_space<vmem>>, %arg3: memref<512x2048xf32, #tpu.memory_space<vmem>>, %arg4: memref<512x2048xf32, #tpu.memory_space<vmem>>, %arg5: memref<512x2048xf32, #tpu.memory_space<vmem>>) attributes {dimension_semantics = [#tpu.dimension_semantics<arbitrary>], iteration_bounds = array<i64: 32>, scalar_prefetch = 0 : i64, scratch_operands = 0 : i64, tpu.core_type = #tpu.core_type<tc>, window_params = [{pipeline_mode = #tpu.pipeline_mode<synchronous>, transform_indices = @transform_0, window_bounds = array<i64: 32, 512>}, {pipeline_mode = #tpu.pipeline_mode<synchronous>, transform_indices = @transform_1, window_bounds = array<i64: 32, 512>}, {transform_indices = @transform_2, window_bounds = array<i64: 512, 2048>}, {transform_indices = @transform_3, window_bounds = array<i64: 512, 2048>}, {transform_indices = @transform_4, window_bounds = array<i64: 512, 2048>}]} {
    %get3A = arith.index_cast %arg0 : i32 to index
    %get3A_0 = arith.constant 0 : index
    %get3A_1 = vector.load %arg1[%get3A, %get3A_0] : memref<32x512xf32, #tpu.memory_space<vmem>>, vector<1x512xf32>
    %transpose3A = tpu.transpose %get3A_1, [1, 0] : vector<1x512xf32> -> vector<512x1xf32>
    %get3A_2 = arith.index_cast %arg0 : i32 to index
    %get3A_3 = arith.constant 0 : index
    %get3A_4 = vector.load %arg2[%get3A_2, %get3A_3] : memref<32x512xf32, #tpu.memory_space<vmem>>, vector<1x512xf32>
    %transpose3A_5 = tpu.transpose %get3A_4, [1, 0] : vector<1x512xf32> -> vector<512x1xf32>
    %get3A_6 = arith.constant 0 : index
    %get3A_7 = arith.constant 0 : index
    %get3A_8 = vector.load %arg3[%get3A_6, %get3A_7] : memref<512x2048xf32, #tpu.memory_space<vmem>>, vector<512x2048xf32>
    %mul3A = vector.broadcast %transpose3A : vector<512x1xf32> to vector<512x2048xf32>
    %mul3A_9 = arith.mulf %mul3A, %get3A_8 : vector<512x2048xf32>
    %get3A_10 = arith.constant 0 : index
    %get3A_11 = arith.constant 0 : index
    %get3A_12 = vector.load %arg4[%get3A_10, %get3A_11] : memref<512x2048xf32, #tpu.memory_space<vmem>>, vector<512x2048xf32>
    %mul3A_13 = vector.broadcast %transpose3A_5 : vector<512x1xf32> to vector<512x2048xf32>
    %mul3A_14 = arith.mulf %mul3A_13, %get3A_12 : vector<512x2048xf32>
    %add3A = arith.addf %mul3A_9, %mul3A_14 : vector<512x2048xf32>
    %swap3A = arith.constant 0 : index
    %swap3A_15 = arith.constant 0 : index
    %swap3A_16 = vector.load %arg5[%swap3A, %swap3A_15] : memref<512x2048xf32, #tpu.memory_space<vmem>>, vector<512x2048xf32>
    tpu.vector_store %arg5[%swap3A, %swap3A_15], %add3A {strides = array<i32>} : memref<512x2048xf32, #tpu.memory_space<vmem>>, vector<512x2048xf32>,
    return
  }
  func.func @transform_0(%arg0: i32) -> (i32, i32) {
    %c0_i32 = arith.constant 0 : i32
    %c0_i32_0 = arith.constant 0 : i32
    %c0_i32_1 = arith.constant 0 : i32
    return %c0_i32, %c0_i32_0 : i32, i32
  }
  func.func @transform_1(%arg0: i32) -> (i32, i32) {
    %c0_i32 = arith.constant 0 : i32
    %c0_i32_0 = arith.constant 0 : i32
    %c0_i32_1 = arith.constant 0 : i32
    return %c0_i32, %c0_i32_0 : i32, i32
  }
  func.func @transform_2(%arg0: i32) -> (i32, i32) {
    %c0_i32 = arith.constant 0 : i32
    %c0_i32_0 = arith.constant 0 : i32
    return %arg0, %c0_i32 : i32, i32
  }
  func.func @transform_3(%arg0: i32) -> (i32, i32) {
    %c0_i32 = arith.constant 0 : i32
    %c0_i32_0 = arith.constant 0 : i32
    return %arg0, %c0_i32 : i32, i32
  }
  func.func @transform_4(%arg0: i32) -> (i32, i32) {
    %c0_i32 = arith.constant 0 : i32
    %c0_i32_0 = arith.constant 0 : i32
    return %arg0, %c0_i32 : i32, i32
  }
}

</mosaic_0001>

<sc_bundles>
// kernel: kernel.4.cloned.1.call-start
scs
__scs_entry_jumppad:
0x0: {  	(pc) =	sbr.rel $0x88, $3  }
0x1: {  	(tag) =	ssettag $0x0;
	lr =	simm.s32 $0x1  }
0x2: {  	[smem:$0x3F9C] =	sst lr;
	_ =	strace $0xD0000000  }
0x3: {  	_ = 	snop  }
0x4: {  	_ = 	snop  }
0x5: {  	_ = 	snop  }
0x6: {  	_ = 	snop  }
0x7: {  	_ = 	snop  }
__scs_overlays_trampoline_lowered:
0x8: {  	[smem:$0x3FAB] =	sst s0  }
0x9: {  	[smem:$0x3FAC] =	sst s1  }
0xa: {  	[smem:$0x3FAD] =	sst s2  }
0xb: {  	[smem:$0x3FAE] =	sst s3  }
0xc: {  	[smem:$0x3FAF] =	sst s4  }
0xd: {  	[smem:$0x3FB0] =	sst s5  }
0xe: {  	[smem:$0x3FB1] =	sst s6  }
0xf: {  	[smem:$0x3FB2] =	sst s7  }
0x10: {  	[smem:$0x3FB3] =	sst s8  }
0x11: {  	[smem:$0x3FB4] =	sst s9;
	s0 =	simm.s32 @!p0 $0x0  }
0x12: {  	s1 =	sld [smem:$0x3F9A];
	s0 =	simm.s32 @p0 $0x1  }
0x13: {  	[smem:$0x3FB5] =	sst s0;
	s0 =	simm.s32 @!p1 $0x0  }
0x14: {  	s2 =	sld [smem:$0x3F99];
	s0 =	simm.s32 @p1 $0x1  }
0x15: {  	[smem:$0x3FB6] =	sst s0;
	s0 =	simm.s32 @!p2 $0x0  }
0x16: {  	s3 =	sld [smem:$0x3FDB];
	s0 =	simm.s32 @p2 $0x1  }
0x17: {  	s4 =	simm.s32 $0x1BF5;
	[smem:$0x3FB8] =	sst s0  }
0x18: {  	s0 =	sld [smem:$0x3F9B];
	_ =	swait.ge [sflag:s4], $0x0  }
0x19: {  	s7 =	sld [smem:$0x3F9C]  }
0x1a: {  	s8 =	sadd.s32 $0xFFFFE003, lr  }
0x1b: {  	s9 =	sadd.s32 $0xFFFFFEF7, lr;
	s5 =	simm.s32 $0xFFFFFFFF;
	p2 =	slt.u32 s8, $0xFFFFF086  }
0x1c: {  	p1 =	slt.u32 s9, $0xF7A;
	s5 =	simm.s32 @!p2 $0x0  }
0x1d: {  	s5 =	simm.s32 @p1 $0x1;
	p0 =	seq.s32 s7, s2  }
0x1e: {  	s7 =	smul.u32 @!p0 $0xF7A, s2;
	p2 =	seq.s32 @!p0 s5, $0x0  }
0x1f: {  	s9 =	smul.u32 $0xF7A, s1;
	s8 =	simm.s32 @!p0 $0x1BF5;
	p2 =	por !p2, p0  }
0x20: {  	[sflag:s8] =	ssyncset.s32 @!p0 $0xFFFFF086;
	s6 =	sadd.s32 @!p0 s3, s7;
	s7 =	simm.s32 @!p0 $0x108  }
0x21: {  	s3 =	sadd.s32 s3, s9;
	s6 =	sadd.s32 @!p0 $0x88, s6;
	s7 =	simm.s32 @p2 $0x1082  }
0x22: {  	[simem:s7], [sflag:s8] =	dma.local @!p0 [hbm:s6], $0xF7A  }
0x23: {  	s9 =	sor.u32 $0xD0000000, s2;
	s6 =	simm.s32 $0x108;
	_ =	swait.ge @!p0 [sflag:s8], $0x0  }
0x24: {  	s3 =	sadd.s32 $0x88, s3;
	s6 =	simm.s32 @!p1 $0x1082;
	[sflag:s4] =	ssyncset.s32 $0xFFFFF086  }
0x25: {  	[simem:s6], [sflag:s4] =	dma.local [hbm:s3], $0xF7A  }
0x26: {  	[smem:$0x3F9C] =	sst s1;
	(tag) =	ssettag s2;
	_ =	strace s9  }
0x27: {  	s1 =	sld [smem:$0x3FAC]  }
0x28: {  	s2 =	sld [smem:$0x3FAD]  }
0x29: {  	s4 =	sld [smem:$0x3FAF]  }
0x2a: {  	p0 =	seq.s32 s5, $0x0;
	s5 =	sld [smem:$0x3FB0]  }
0x2b: {  	s6 =	sld [smem:$0x3FB1]  }
0x2c: {  	s7 =	sld [smem:$0x3FB2]  }
0x2d: {  	s3 =	simm.s32 $0x108;
	s8 =	sld [smem:$0x3FB3]  }
0x2e: {  	s3 =	simm.s32 @!p0 $0x1082;
	s9 =	sld [smem:$0x3FB4]  }
0x2f: {  	lr =	sadd.s32 s0, s3;
	s0 =	sld [smem:$0x3FAB]  }
0x30: {  	s3 =	sld [smem:$0x3FAE]  }
0x31: {  	[smem:$0x3FB7] =	sst s10  }
0x32: {  	s10 =	sld [smem:$0x3FB5];
	_ =	sdelay $0x3  }
0x33: {  	p0 =	seq.s32 s10, $0x1;
	s10 =	sld [smem:$0x3FB7];
	_ =	sdelay $0x3  }
0x34: {  	[smem:$0x3FB7] =	sst s10  }
0x35: {  	s10 =	sld [smem:$0x3FB6];
	_ =	sdelay $0x3  }
0x36: {  	p1 =	seq.s32 s10, $0x1;
	s10 =	sld [smem:$0x3FB7];
	_ =	sdelay $0x3  }
0x37: {  	[smem:$0x3FB7] =	sst s10  }
0x38: {  	s10 =	sld [smem:$0x3FB8]  }
0x39: {  	_ = 	snop;
	(pc) =	sbr.ind lr, $3  }
0x3a: {  	_ = 	snop  }
0x3b: {  	_ = 	snop  }
0x3c: {  	p2 =	seq.s32 s10, $0x1;
	s10 =	sld [smem:$0x3FB7]  }
0x3d: {  	_ =	shalt  }
0x3e: {  	_ =	shalt  }
0x3f: {  	_ =	shalt  }
0x40: {  	_ =	shalt  }
0x41: {  	_ =	shalt  }
0x42: {  	_ =	shalt  }
0x43: {  	_ =	shalt  }
0x44: {  	_ =	shalt  }
0x45: {  	_ =	shalt  }
0x46: {  	_ =	shalt  }
0x47: {  	_ =	shalt  }
0x48: {  	_ =	shalt  }
0x49: {  	_ =	shalt  }
0x4a: {  	_ =	shalt  }
0x4b: {  	_ =	shalt  }
0x4c: {  	_ =	shalt  }
0x4d: {  	_ =	shalt  }
0x4e: {  	_ =	shalt  }
0x4f: {  	_ =	shalt  }
0x50: {  	_ =	shalt  }
0x51: {  	_ =	shalt  }
0x52: {  	_ =	shalt  }
0x53: {  	_ =	shalt  }
0x54: {  	_ =	shalt  }
0x55: {  	_ =	shalt  }
0x56: {  	_ =	shalt  }
0x57: {  	_ =	shalt  }
0x58: {  	_ =	shalt  }
0x59: {  	_ =	shalt  }
0x5a: {  	_ =	shalt  }
0x5b: {  	_ =	shalt  }
0x5c: {  	_ =	shalt  }
0x5d: {  	_ =	shalt  }
0x5e: {  	_ =	shalt  }
0x5f: {  	_ =	shalt  }
0x60: {  	_ =	shalt  }
0x61: {  	_ =	shalt  }
0x62: {  	_ =	shalt  }
0x63: {  	_ =	shalt  }
0x64: {  	_ =	shalt  }
0x65: {  	_ =	shalt  }
0x66: {  	_ =	shalt  }
0x67: {  	_ =	shalt  }
0x68: {  	_ =	shalt  }
0x69: {  	_ =	shalt  }
0x6a: {  	_ =	shalt  }
0x6b: {  	_ =	shalt  }
0x6c: {  	_ =	shalt  }
0x6d: {  	_ =	shalt  }
0x6e: {  	_ =	shalt  }
0x6f: {  	_ =	shalt  }
0x70: {  	_ =	shalt  }
0x71: {  	_ =	shalt  }
0x72: {  	_ =	shalt  }
0x73: {  	_ =	shalt  }
0x74: {  	_ =	shalt  }
0x75: {  	_ =	shalt  }
0x76: {  	_ =	shalt  }
0x77: {  	_ =	shalt  }
0x78: {  	_ =	shalt  }
0x79: {  	_ =	shalt  }
0x7a: {  	_ =	shalt  }
0x7b: {  	_ =	shalt  }
0x7c: {  	_ =	shalt  }
0x7d: {  	_ =	shalt  }
0x7e: {  	_ =	shalt  }
0x7f: {  	_ =	shalt  }
0x80: {  	_ =	shalt  }
0x81: {  	_ =	shalt  }
0x82: {  	_ =	shalt  }
0x83: {  	_ =	shalt  }
0x84: {  	_ =	shalt  }
0x85: {  	_ =	shalt  }
0x86: {  	_ =	shalt  }
0x87: {  	_ =	shalt  }
.Lfunc_end0:
.L_simem_size_0:
called_computation_lowered:
.L_overlay_start_0:
0x88: {  	s2 =	sld [smem:$0x3FD9]  }
0x89: {  	s3 =	sld [smem:$0x3FFE];
	_ =	sdelay $0x1  }
0x8a: {  	s1 =	srdreg.scid  }
0x8b: {  	s0 =	sand.u32 $0x1, s1  }
0x8c: {  	s17 =	sshll.u32 s0, $0xA;
	s2 =	sadd.s32 s3, s2  }
0x8d: {  	s2 =	sadd.s32 s2, s17  }
0x8e: {  	[smem:$0x3FC3] =	sst s2  }
0x8f: {  	_ = 	snop  }
0x90: {  	s2 =	sld [smem:$0x3FC8]  }
0x91: {  	s18 =	sld [smem:$0x3FC6]  }
0x92: {  	s4 =	sld [smem:$0x3FC5]  }
0x93: {  	s5 =	sld [smem:$0x3FD0];
	(tm) =	ssettm $0x1  }
0x94: {  	s6 =	sld [smem:$0x3FFB];
	_ =	sdelay $0x3  }
0x95: {  	_ =	strace s6  }
0x96: {  	s6 =	sld [smem:$0x3FFC];
	_ =	sdelay $0x3  }
0x97: {  	_ =	strace s6  }
0x98: {  	s6 =	sld [smem:$0x3FFD];
	_ =	sdelay $0x3  }
0x99: {  	_ =	strace s6  }
0x9a: {  	_ =	strace $0x8FFFFFFF  }
0x9b: {  	s19 =	sld [smem:$0x3FDB];
	_ =	sdelay $0x1  }
0x9c: {  	s7 =	simm.s32 $_scs_section_size  }
0x9d: {  	s8 =	simm.s32 $_size__tile_overlayer_lowered;
	s9 =	simm.s32 $_tile_overlayer_lowered  }
0x9e: {  	s22 =	simm.s32 $0x1BFF;
	s21 =	sshll.u32 s9, $0x1;
	s6 =	sadd.s32 s7, s19  }
0x9f: {  	s10 =	simm.s32 $0x0;
	s20 =	sshll.u32 s8, $0x1;
	s8 =	sadd.s32 s21, s6  }
0xa0: {  	[timem:s10], [sflag:s22] =	dma.local [hbm:s8], s20  }
0xa1: {  	_ =	swait.ge [sflag:s22], s20  }
0xa2: {  	s7 =	ssub.s32 $0x0, s20;
	[sflag:s22] =	ssyncset.done $0x0  }
0xa3: {  	[sflag:s22] =	ssyncadd.s32 s7;
	_ =	sdelay $0x1  }
0xa4: {  	s23 =	simm.s32 $0x1B8B  }
0xa5: {  	_ =	swait.ge [sflag:s23], $0x1  }
0xa6: {  	[sflag:s23] =	ssyncset.done $0x0  }
0xa7: {  	s25 =	simm.s32 $0x1B8E;
	s24 =	sld [smem:$0x3FFE];
	[sflag:s23] =	ssyncadd.s32 $0xFFFFFFFF  }
0xa8: {  	s26 =	simm.s32 $execute0_lowered;
	[smem:$0x3FD2] =	sst s25  }
0xa9: {  	s8 =	sshll.u32 s26, $0x1;
	_ =	strace $0x80000046;
	[dreg:$0x1] =	wrdreg $0xFFFFFFFF  }
0xaa: {  	s28 =	simm.s32 $_size_execute0_lowered;
	s6 =	sadd.s32 s6, s8;
	[dreg:$0x0] =	wrdreg $0x0  }
0xab: {  	s8 =	sshll.u32 s28, $0x1;
	[dreg:$0x2] =	wrdreg s6  }
0xac: {  	[dreg:$0x3] =	wrdreg s8  }
0xad: {  	[dreg:$0x4] =	wrdreg $0xC0  }
0xae: {  	_ =	task [dreg:s10], $0x5FFFF  }
0xaf: {  	[dreg:$0x1] =	wrdreg $0xFFFFFFFF  }
0xb0: {  	[dreg:$0x0] =	wrdreg $0x60  }
0xb1: {  	[dreg:$0x2] =	wrdreg s2  }
0xb2: {  	[dreg:$0x3] =	wrdreg s18  }
0xb3: {  	[dreg:$0x4] =	wrdreg s4  }
0xb4: {  	[dreg:$0x5] =	wrdreg s5  }
0xb5: {  	[dreg:$0x6] =	wrdreg s24  }
0xb6: {  	[dreg:$0x7] =	wrdreg $0x9  }
0xb7: {  	_ =	task.clear_ibuf [dreg:s10], $0x8FFFF;
	_ =	strace $0x90000046  }
0xb8: {  	s29 =	simm.s32 $0x9;
	_ =	strace $0x80000048  }
0xb9: {  	_ =	swait.ge [sflag:s29], $0x1  }
0xba: {  	[sflag:s29] =	ssyncadd.s32 $0xFFFFFFFF  }
0xbb: {  	_ =	strace $0x90000048  }
0xbc: {  	_ =	sfence  }
0xbd: {  	s30 =	sld [smem:$0x0];
	_ =	sdelay $0x2  }
0xbe: {  	s31 =	sshll.u32 s1, $0xD;
	s1 =	sshrl.u32 s1, $0x2  }
0xbf: {  	s3 =	sand.u32 $0x4000, s31;
	s1 =	sadd.s32 s1, s30  }
0xc0: {  	s0 =	sor.u32 s3, s0;
	s1 =	sshll.u32 s1, $0x11  }
0xc1: {  	s0 =	sor.u32 s1, s0  }
0xc2: {  	s0 =	sadd.s32 $0x8F2B, s0  }
0xc3: {  	[sflag:s0] =	ssyncadd.remote.s32 $0x1  }
0xc4: {  	_ =	sfence.sel $0xFFFF  }
0xc5: {  	[dreg:$0x0] =	wrdreg $0xFFFFFFFF;
	(pc) =	sbr.abs _section_cstart, $3  }
0xc6: {  	[dreg:$0x1] =	wrdreg $0xFFFFFFFF  }
0xc7: {  	_ =	task.clear_ibuf [dreg:s10], $0x2FFFF;
	_ =	strace $0x9FFFFFFF  }
0xc8: {  	(tm) =	ssettm $0x7FFFFFFF  }
0xc9: {  	_ =	shalt  }
tec
execute0_lowered:
.L_overlay_start_1:
0x0: {  	(tag) =	ssettag $0x1  }
0x1: {  	s0 =	rddreg [dreg:$0x0]  }
0x2: {  	s7 =	rddreg [dreg:$0x1]  }
0x3: {  	s8 =	rddreg [dreg:$0x2]  }
0x4: {  	s1 =	rddreg [dreg:$0x3];
	s2 =	srdreg.scid  }
0x5: {  	s5 =	stileid.u32;
	s3 =	rddreg [dreg:$0x4]  }
0x6: {  	s9 =	simm.s32 $0x0;
	s11 =	simm.s32 $0x2;
	s10 =	simm.s32 $0x40  }
0x7: {  	s12 =	simm.s32 $0x240;
	s13 =	simm.s32 $0x440;
	s15 =	simm.s32 $0x280  }
0x8: {  	s16 =	simm.s32 $0x480;
	s14 =	simm.s32 $0xC0;
	s18 =	simm.s32 $0x2C0  }
0x9: {  	s19 =	simm.s32 $0x4C0;
	s17 =	simm.s32 $0x100;
	s21 =	simm.s32 $0x300  }
0xa: {  	s22 =	simm.s32 $0x500;
	s20 =	simm.s32 $0x140;
	p0 =	por $0x0, $0x0  }
0xb: {  	s28 =	simm.s32 $0x380;
	s29 =	simm.s32 $0x580;
	s30 =	simm.s32 $0x3C0  }
0xc: {  	s31 =	simm.s32 $0x5C0;
	s2 =	sand.u32 $0x1, s2;
	s4 =	sshll.u32 s5, $0x1  }
0xd: {  	[smem:$0x7FF] =	sst s9;
	s4 =	sor.u32 s2, s4;
	s2 =	ssub.s32 $0x2, s2  }
0xe: {  	s5 =	sshll.u32 s5, $0x7;
	_ =	strace $0x80000047;
	s23 =	sshrl.u32 s2, $0x1  }
0xf: {  	s6 =	sshll.u32 s4, $0x4;
	s4 =	sshll.u32 s4, $0x6;
	s25 =	ssub.s32 s2, s23  }
0x10: {  	s5 =	sor.u32 s5, s6;
	s0 =	sadd.s32 s0, s4;
	s26 =	smax.u32 s25, $0x1  }
0x11: {  	s4 =	simm.s32 $0x400;
	s23 =	simm.s32 $0x180;
	p1 =	sne.s32 s26, $0x1  }
.Ltmp0:
0x12: {  	s6 =	simm.s32 $0x1;
	s5 =	sand.u32 $0x670, s5;
	(pc) =	sbr.rel @!p1 .LBB2_3-.Ltmp0, $4  }
0x13: {  	[dreg:$0x6] =	wrdreg s0;
	s25 =	simm.s32 $0x540;
	s3 =	sadd.s32 s5, s3  }
0x14: {  	s24 =	sadd.s32 s1, s5;
	s5 =	simm.s32 $0x80;
	s0 =	rddreg [dreg:$0x6]  }
0x15: {  	s1 =	sadd.s32 $0xFFFFFFFF, s26;
	s26 =	simm.s32 $0x1C0;
	[dreg:$0x7] =	wrdreg s24  }
0x16: {  	s2 =	sadd.s32 $0xC00, s3;
	s3 =	simm.s32 $0x200;
	s24 =	simm.s32 $0x340  }
0x17: {  	[tilespmem:s9], [sflag:$0x2] =	stream.linear.gather [hbm4b:s0+s9], $0x200, $0x38;
	[tilespmem:$0x600] =	vst v63  }
0x18: {  	_ =	swait.ge [sflag:s11], $0x200  }
0x19: {  	[sflag:s11] =	ssyncset.done $0x0  }
0x1a: {  	[sflag:s11] =	ssyncadd.s32 $0xFFFFFE00  }
0x1b: {  	[tilespmem:s3], [sflag:$0x1] =	stream.indirect.gather [hbm4b:s7+s10], $0x1, s9, s10, $0xb8;
	[tilespmem:$0x600] =	vst v63  }
0x1c: {  	_ = 	snop  }
0x1d: {  	[tilespmem:s4], [sflag:$0x1] =	stream.indirect.gather [hbm4b:s8+s10], $0x1, s9, s10, $0xb8;
	[tilespmem:$0x600] =	vst v63  }
0x1e: {  	_ = 	snop  }
0x1f: {  	[tilespmem:s12], [sflag:$0x1] =	stream.indirect.gather [hbm4b:s7+s10], $0x1, s10, s10, $0xb8;
	[tilespmem:$0x600] =	vst v63  }
0x20: {  	_ = 	snop  }
0x21: {  	[tilespmem:s13], [sflag:$0x1] =	stream.indirect.gather [hbm4b:s8+s10], $0x1, s10, s10, $0xb8;
	[tilespmem:$0x600] =	vst v63  }
0x22: {  	_ = 	snop  }
0x23: {  	[tilespmem:s15], [sflag:$0x1] =	stream.indirect.gather [hbm4b:s7+s10], $0x1, s5, s10, $0xb8;
	[tilespmem:$0x600] =	vst v63  }
0x24: {  	_ = 	snop  }
0x25: {  	[tilespmem:s16], [sflag:$0x1] =	stream.indirect.gather [hbm4b:s8+s10], $0x1, s5, s10, $0xb8;
	[tilespmem:$0x600] =	vst v63  }
0x26: {  	_ = 	snop  }
0x27: {  	[tilespmem:s18], [sflag:$0x1] =	stream.indirect.gather [hbm4b:s7+s10], $0x1, s14, s10, $0xb8;
	[tilespmem:$0x600] =	vst v63  }
0x28: {  	_ = 	snop  }
0x29: {  	[tilespmem:s19], [sflag:$0x1] =	stream.indirect.gather [hbm4b:s8+s10], $0x1, s14, s10, $0xb8;
	[tilespmem:$0x600] =	vst v63  }
0x2a: {  	_ = 	snop  }
0x2b: {  	[tilespmem:s21], [sflag:$0x1] =	stream.indirect.gather [hbm4b:s7+s10], $0x1, s17, s10, $0xb8;
	[tilespmem:$0x600] =	vst v63  }
0x2c: {  	_ = 	snop  }
0x2d: {  	[tilespmem:s22], [sflag:$0x1] =	stream.indirect.gather [hbm4b:s8+s10], $0x1, s17, s10, $0xb8;
	[tilespmem:$0x600] =	vst v63  }
0x2e: {  	_ = 	snop  }
0x2f: {  	[tilespmem:s24], [sflag:$0x1] =	stream.indirect.gather [hbm4b:s7+s10], $0x1, s20, s10, $0xb8;
	[tilespmem:$0x600] =	vst v63  }
0x30: {  	_ = 	snop  }
0x31: {  	[tilespmem:s25], [sflag:$0x1] =	stream.indirect.gather [hbm4b:s8+s10], $0x1, s20, s10, $0xb8;
	[tilespmem:$0x600] =	vst v63  }
0x32: {  	_ = 	snop  }
0x33: {  	[tilespmem:s28], [sflag:$0x1] =	stream.indirect.gather [hbm4b:s7+s10], $0x1, s23, s10, $0xb8;
	[tilespmem:$0x600] =	vst v63  }
0x34: {  	_ = 	snop  }
0x35: {  	[tilespmem:s29], [sflag:$0x1] =	stream.indirect.gather [hbm4b:s8+s10], $0x1, s23, s10, $0xb8;
	[tilespmem:$0x600] =	vst v63  }
0x36: {  	_ = 	snop  }
0x37: {  	[tilespmem:s30], [sflag:$0x1] =	stream.indirect.gather [hbm4b:s7+s10], $0x1, s26, s10, $0xb8;
	[tilespmem:$0x600] =	vst v63  }
0x38: {  	_ = 	snop  }
0x39: {  	[tilespmem:s31], [sflag:$0x1] =	stream.indirect.gather [hbm4b:s8+s10], $0x1, s26, s10, $0xb8;
	[tilespmem:$0x600] =	vst v63  }
0x3a: {  	_ =	swait.ge [sflag:s6], $0x40  }
0x3b: {  	[sflag:s6] =	ssyncset.done $0x0  }
0x3c: {  	[sflag:s6] =	ssyncadd.s32 $0xFFFFFFC0  }
0x3d: {  	_ =	swait.ge [sflag:s6], $0x40  }
0x3e: {  	[sflag:s6] =	ssyncset.done $0x0  }
0x3f: {  	[sflag:s6] =	ssyncadd.s32 $0xFFFFFFC0  }
0x40: {  	_ =	swait.ge [sflag:s6], $0x40  }
0x41: {  	[sflag:s6] =	ssyncset.done $0x0  }
0x42: {  	[sflag:s6] =	ssyncadd.s32 $0xFFFFFFC0  }
0x43: {  	_ =	swait.ge [sflag:s6], $0x40  }
0x44: {  	[sflag:s6] =	ssyncset.done $0x0  }
0x45: {  	[sflag:s6] =	ssyncadd.s32 $0xFFFFFFC0  }
0x46: {  	_ =	swait.ge [sflag:s6], $0x40  }
0x47: {  	[sflag:s6] =	ssyncset.done $0x0  }
0x48: {  	[sflag:s6] =	ssyncadd.s32 $0xFFFFFFC0  }
0x49: {  	_ =	swait.ge [sflag:s6], $0x40  }
0x4a: {  	[sflag:s6] =	ssyncset.done $0x0  }
0x4b: {  	[sflag:s6] =	ssyncadd.s32 $0xFFFFFFC0  }
0x4c: {  	_ =	swait.ge [sflag:s6], $0x40  }
0x4d: {  	[sflag:s6] =	ssyncset.done $0x0  }
0x4e: {  	[sflag:s6] =	ssyncadd.s32 $0xFFFFFFC0  }
0x4f: {  	_ =	swait.ge [sflag:s6], $0x40  }
0x50: {  	[sflag:s6] =	ssyncset.done $0x0  }
0x51: {  	[sflag:s6] =	ssyncadd.s32 $0xFFFFFFC0  }
0x52: {  	_ =	swait.ge [sflag:s6], $0x40  }
0x53: {  	[sflag:s6] =	ssyncset.done $0x0  }
0x54: {  	[sflag:s6] =	ssyncadd.s32 $0xFFFFFFC0  }
0x55: {  	_ =	swait.ge [sflag:s6], $0x40  }
0x56: {  	[sflag:s6] =	ssyncset.done $0x0  }
0x57: {  	[sflag:s6] =	ssyncadd.s32 $0xFFFFFFC0  }
0x58: {  	_ =	swait.ge [sflag:s6], $0x40  }
0x59: {  	[sflag:s6] =	ssyncset.done $0x0  }
0x5a: {  	[sflag:s6] =	ssyncadd.s32 $0xFFFFFFC0  }
0x5b: {  	_ =	swait.ge [sflag:s6], $0x40  }
0x5c: {  	[sflag:s6] =	ssyncset.done $0x0  }
0x5d: {  	[sflag:s6] =	ssyncadd.s32 $0xFFFFFFC0  }
0x5e: {  	_ =	swait.ge [sflag:s6], $0x40  }
0x5f: {  	[sflag:s6] =	ssyncset.done $0x0  }
0x60: {  	[sflag:s6] =	ssyncadd.s32 $0xFFFFFFC0  }
0x61: {  	_ =	swait.ge [sflag:s6], $0x40  }
0x62: {  	[sflag:s6] =	ssyncset.done $0x0  }
0x63: {  	[sflag:s6] =	ssyncadd.s32 $0xFFFFFFC0  }
0x64: {  	_ =	swait.ge [sflag:s6], $0x40  }
0x65: {  	[sflag:s6] =	ssyncset.done $0x0  }
0x66: {  	[sflag:s6] =	ssyncadd.s32 $0xFFFFFFC0  }
0x67: {  	_ =	swait.ge [sflag:s6], $0x40  }
0x68: {  	[sflag:s6] =	ssyncset.done $0x0  }
0x69: {  	s0 =	rddreg [dreg:$0x7];
	[sflag:s6] =	ssyncadd.s32 $0xFFFFFFC0  }
0x6a: {  	[hbm4b:s0+s5] =	stream.strided.scatter [tilespmem:s3], [sflag:$0x1], $0x200, s4, s5, $0x38;
	[tilespmem:$0x600] =	vst v63  }
0x6b: {  	p1 =	sne.s32 s1, $0x1  }
0x6c: {  	[hbm4b:s2+s5] =	stream.strided.scatter [tilespmem:s4], [sflag:$0x1], $0x200, s4, s5, $0x38;
	[tilespmem:$0x600] =	vst v63  }
.Ltmp1:
0x6d: {  	_ =	swait.ge [sflag:s6], $0x200;
	(pc) =	sbr.rel @!p1 .LBB2_3-.Ltmp1, $4  }
0x6e: {  	[sflag:s6] =	ssyncset.done $0x0  }
0x6f: {  	[sflag:s6] =	ssyncadd.s32 $0xFFFFFE00  }
0x70: {  	s1 =	sadd.s32 $0xFFFFFFFF, s1;
	_ =	swait.ge [sflag:s6], $0x200  }
0x71: {  	p0 =	por $0x1, $0x1;
	s0 =	rddreg [dreg:$0x6];
	[sflag:s6] =	ssyncset.done $0x0  }
.LBB2_2:
0x72: {  	[sflag:s6] =	ssyncadd.s32 $0xFFFFFE00  }
0x73: {  	[tilespmem:s9], [sflag:$0x2] =	stream.linear.gather [hbm4b:s0+s9], $0x200, $0x38;
	[tilespmem:$0x600] =	vst v63  }
0x74: {  	_ =	swait.ge [sflag:s11], $0x200  }
0x75: {  	[sflag:s11] =	ssyncset.done $0x0  }
0x76: {  	[sflag:s11] =	ssyncadd.s32 $0xFFFFFE00  }
0x77: {  	[tilespmem:s3], [sflag:$0x1] =	stream.indirect.gather [hbm4b:s7+s10], $0x1, s9, s10, $0xb8;
	[tilespmem:$0x600] =	vst v63  }
0x78: {  	_ = 	snop  }
0x79: {  	[tilespmem:s4], [sflag:$0x1] =	stream.indirect.gather [hbm4b:s8+s10], $0x1, s9, s10, $0xb8;
	[tilespmem:$0x600] =	vst v63  }
0x7a: {  	_ = 	snop  }
0x7b: {  	[tilespmem:s12], [sflag:$0x1] =	stream.indirect.gather [hbm4b:s7+s10], $0x1, s10, s10, $0xb8;
	[tilespmem:$0x600] =	vst v63  }
0x7c: {  	_ = 	snop  }
0x7d: {  	[tilespmem:s13], [sflag:$0x1] =	stream.indirect.gather [hbm4b:s8+s10], $0x1, s10, s10, $0xb8;
	[tilespmem:$0x600] =	vst v63  }
0x7e: {  	_ = 	snop  }
0x7f: {  	[tilespmem:s15], [sflag:$0x1] =	stream.indirect.gather [hbm4b:s7+s10], $0x1, s5, s10, $0xb8;
	[tilespmem:$0x600] =	vst v63  }
0x80: {  	_ = 	snop  }
0x81: {  	[tilespmem:s16], [sflag:$0x1] =	stream.indirect.gather [hbm4b:s8+s10], $0x1, s5, s10, $0xb8;
	[tilespmem:$0x600] =	vst v63  }
0x82: {  	_ = 	snop  }
0x83: {  	[tilespmem:s18], [sflag:$0x1] =	stream.indirect.gather [hbm4b:s7+s10], $0x1, s14, s10, $0xb8;
	[tilespmem:$0x600] =	vst v63  }
0x84: {  	_ = 	snop  }
0x85: {  	[tilespmem:s19], [sflag:$0x1] =	stream.indirect.gather [hbm4b:s8+s10], $0x1, s14, s10, $0xb8;
	[tilespmem:$0x600] =	vst v63  }
0x86: {  	_ = 	snop  }
0x87: {  	[tilespmem:s21], [sflag:$0x1] =	stream.indirect.gather [hbm4b:s7+s10], $0x1, s17, s10, $0xb8;
	[tilespmem:$0x600] =	vst v63  }
0x88: {  	_ = 	snop  }
0x89: {  	[tilespmem:s22], [sflag:$0x1] =	stream.indirect.gather [hbm4b:s8+s10], $0x1, s17, s10, $0xb8;
	[tilespmem:$0x600] =	vst v63  }
0x8a: {  	_ = 	snop  }
0x8b: {  	[tilespmem:s24], [sflag:$0x1] =	stream.indirect.gather [hbm4b:s7+s10], $0x1, s20, s10, $0xb8;
	[tilespmem:$0x600] =	vst v63  }
0x8c: {  	_ = 	snop  }
0x8d: {  	[tilespmem:s25], [sflag:$0x1] =	stream.indirect.gather [hbm4b:s8+s10], $0x1, s20, s10, $0xb8;
	[tilespmem:$0x600] =	vst v63  }
0x8e: {  	_ = 	snop  }
0x8f: {  	[tilespmem:s28], [sflag:$0x1] =	stream.indirect.gather [hbm4b:s7+s10], $0x1, s23, s10, $0xb8;
	[tilespmem:$0x600] =	vst v63  }
0x90: {  	_ = 	snop  }
0x91: {  	[tilespmem:s29], [sflag:$0x1] =	stream.indirect.gather [hbm4b:s8+s10], $0x1, s23, s10, $0xb8;
	[tilespmem:$0x600] =	vst v63  }
0x92: {  	_ = 	snop  }
0x93: {  	[tilespmem:s30], [sflag:$0x1] =	stream.indirect.gather [hbm4b:s7+s10], $0x1, s26, s10, $0xb8;
	[tilespmem:$0x600] =	vst v63  }
0x94: {  	_ = 	snop  }
0x95: {  	[tilespmem:s31], [sflag:$0x1] =	stream.indirect.gather [hbm4b:s8+s10], $0x1, s26, s10, $0xb8;
	[tilespmem:$0x600] =	vst v63  }
0x96: {  	_ =	swait.ge [sflag:s6], $0x40  }
0x97: {  	[sflag:s6] =	ssyncset.done $0x0  }
0x98: {  	[sflag:s6] =	ssyncadd.s32 $0xFFFFFFC0  }
0x99: {  	_ =	swait.ge [sflag:s6], $0x40  }
0x9a: {  	[sflag:s6] =	ssyncset.done $0x0  }
0x9b: {  	[sflag:s6] =	ssyncadd.s32 $0xFFFFFFC0  }
0x9c: {  	_ =	swait.ge [sflag:s6], $0x40  }
0x9d: {  	[sflag:s6] =	ssyncset.done $0x0  }
0x9e: {  	[sflag:s6] =	ssyncadd.s32 $0xFFFFFFC0  }
0x9f: {  	_ =	swait.ge [sflag:s6], $0x40  }
0xa0: {  	[sflag:s6] =	ssyncset.done $0x0  }
0xa1: {  	[sflag:s6] =	ssyncadd.s32 $0xFFFFFFC0  }
0xa2: {  	_ =	swait.ge [sflag:s6], $0x40  }
0xa3: {  	[sflag:s6] =	ssyncset.done $0x0  }
0xa4: {  	[sflag:s6] =	ssyncadd.s32 $0xFFFFFFC0  }
0xa5: {  	_ =	swait.ge [sflag:s6], $0x40  }
0xa6: {  	[sflag:s6] =	ssyncset.done $0x0  }
0xa7: {  	[sflag:s6] =	ssyncadd.s32 $0xFFFFFFC0  }
0xa8: {  	_ =	swait.ge [sflag:s6], $0x40  }
0xa9: {  	[sflag:s6] =	ssyncset.done $0x0  }
0xaa: {  	[sflag:s6] =	ssyncadd.s32 $0xFFFFFFC0  }
0xab: {  	_ =	swait.ge [sflag:s6], $0x40  }
0xac: {  	[sflag:s6] =	ssyncset.done $0x0  }
0xad: {  	[sflag:s6] =	ssyncadd.s32 $0xFFFFFFC0  }
0xae: {  	_ =	swait.ge [sflag:s6], $0x40  }
0xaf: {  	[sflag:s6] =	ssyncset.done $0x0  }
0xb0: {  	[sflag:s6] =	ssyncadd.s32 $0xFFFFFFC0  }
0xb1: {  	_ =	swait.ge [sflag:s6], $0x40  }
0xb2: {  	[sflag:s6] =	ssyncset.done $0x0  }
0xb3: {  	[sflag:s6] =	ssyncadd.s32 $0xFFFFFFC0  }
0xb4: {  	_ =	swait.ge [sflag:s6], $0x40  }
0xb5: {  	[sflag:s6] =	ssyncset.done $0x0  }
0xb6: {  	[sflag:s6] =	ssyncadd.s32 $0xFFFFFFC0  }
0xb7: {  	_ =	swait.ge [sflag:s6], $0x40  }
0xb8: {  	[sflag:s6] =	ssyncset.done $0x0  }
0xb9: {  	[sflag:s6] =	ssyncadd.s32 $0xFFFFFFC0  }
0xba: {  	_ =	swait.ge [sflag:s6], $0x40  }
0xbb: {  	[sflag:s6] =	ssyncset.done $0x0  }
0xbc: {  	[sflag:s6] =	ssyncadd.s32 $0xFFFFFFC0  }
0xbd: {  	_ =	swait.ge [sflag:s6], $0x40  }
0xbe: {  	[sflag:s6] =	ssyncset.done $0x0  }
0xbf: {  	[sflag:s6] =	ssyncadd.s32 $0xFFFFFFC0  }
0xc0: {  	_ =	swait.ge [sflag:s6], $0x40  }
0xc1: {  	[sflag:s6] =	ssyncset.done $0x0  }
0xc2: {  	[sflag:s6] =	ssyncadd.s32 $0xFFFFFFC0  }
0xc3: {  	_ =	swait.ge [sflag:s6], $0x40  }
0xc4: {  	[sflag:s6] =	ssyncset.done $0x0  }
0xc5: {  	s0 =	rddreg [dreg:$0x7];
	[sflag:s6] =	ssyncadd.s32 $0xFFFFFFC0  }
0xc6: {  	[hbm4b:s0+s5] =	stream.strided.scatter [tilespmem:s3], [sflag:$0x1], $0x200, s4, s5, $0x38;
	[tilespmem:$0x600] =	vst v63  }
0xc7: {  	p1 =	sne.s32 s1, $0x1  }
0xc8: {  	[hbm4b:s2+s5] =	stream.strided.scatter [tilespmem:s4], [sflag:$0x1], $0x200, s4, s5, $0x38;
	[tilespmem:$0x600] =	vst v63  }
.Ltmp2:
0xc9: {  	_ =	swait.ge [sflag:s6], $0x200;
	(pc) =	sbr.rel @p1 .LBB2_2-.Ltmp2, $4  }
0xca: {  	[sflag:s6] =	ssyncset.done $0x0  }
0xcb: {  	[sflag:s6] =	ssyncadd.s32 $0xFFFFFE00  }
0xcc: {  	_ =	swait.ge [sflag:s6], $0x200  }
0xcd: {  	s1 =	sadd.s32 $0xFFFFFFFF, s1;
	s0 =	rddreg [dreg:$0x6];
	[sflag:s6] =	ssyncset.done $0x0  }
.LBB2_3:
0xce: {  	[sflag:s6] =	ssyncadd.s32 @p0 $0xFFFFFE00  }
0xcf: {  	[tilespmem:s9], [sflag:$0x2] =	stream.linear.gather [hbm4b:s0+s9], $0x200, $0x38;
	[tilespmem:$0x600] =	vst v63  }
0xd0: {  	_ =	swait.ge [sflag:s11], $0x200  }
0xd1: {  	[sflag:s11] =	ssyncset.done $0x0  }
0xd2: {  	[sflag:s11] =	ssyncadd.s32 $0xFFFFFE00  }
0xd3: {  	[tilespmem:s3], [sflag:$0x1] =	stream.indirect.gather [hbm4b:s7+s10], $0x1, s9, s10, $0xb8;
	[tilespmem:$0x600] =	vst v63  }
0xd4: {  	_ = 	snop  }
0xd5: {  	[tilespmem:s4], [sflag:$0x1] =	stream.indirect.gather [hbm4b:s8+s10], $0x1, s9, s10, $0xb8;
	[tilespmem:$0x600] =	vst v63  }
0xd6: {  	_ = 	snop  }
0xd7: {  	[tilespmem:s12], [sflag:$0x1] =	stream.indirect.gather [hbm4b:s7+s10], $0x1, s10, s10, $0xb8;
	[tilespmem:$0x600] =	vst v63  }
0xd8: {  	_ = 	snop  }
0xd9: {  	[tilespmem:s13], [sflag:$0x1] =	stream.indirect.gather [hbm4b:s8+s10], $0x1, s10, s10, $0xb8;
	[tilespmem:$0x600] =	vst v63  }
0xda: {  	_ = 	snop  }
0xdb: {  	[tilespmem:s15], [sflag:$0x1] =	stream.indirect.gather [hbm4b:s7+s10], $0x1, s5, s10, $0xb8;
	[tilespmem:$0x600] =	vst v63  }
0xdc: {  	_ = 	snop  }
0xdd: {  	[tilespmem:s16], [sflag:$0x1] =	stream.indirect.gather [hbm4b:s8+s10], $0x1, s5, s10, $0xb8;
	[tilespmem:$0x600] =	vst v63  }
0xde: {  	_ = 	snop  }
0xdf: {  	[tilespmem:s18], [sflag:$0x1] =	stream.indirect.gather [hbm4b:s7+s10], $0x1, s14, s10, $0xb8;
	[tilespmem:$0x600] =	vst v63  }
0xe0: {  	_ = 	snop  }
0xe1: {  	[tilespmem:s19], [sflag:$0x1] =	stream.indirect.gather [hbm4b:s8+s10], $0x1, s14, s10, $0xb8;
	[tilespmem:$0x600] =	vst v63  }
0xe2: {  	_ = 	snop  }
0xe3: {  	[tilespmem:s21], [sflag:$0x1] =	stream.indirect.gather [hbm4b:s7+s10], $0x1, s17, s10, $0xb8;
	[tilespmem:$0x600] =	vst v63  }
0xe4: {  	_ = 	snop  }
0xe5: {  	[tilespmem:s22], [sflag:$0x1] =	stream.indirect.gather [hbm4b:s8+s10], $0x1, s17, s10, $0xb8;
	[tilespmem:$0x600] =	vst v63  }
0xe6: {  	_ = 	snop  }
0xe7: {  	[tilespmem:s24], [sflag:$0x1] =	stream.indirect.gather [hbm4b:s7+s10], $0x1, s20, s10, $0xb8;
	[tilespmem:$0x600] =	vst v63  }
0xe8: {  	_ = 	snop  }
0xe9: {  	[tilespmem:s25], [sflag:$0x1] =	stream.indirect.gather [hbm4b:s8+s10], $0x1, s20, s10, $0xb8;
	[tilespmem:$0x600] =	vst v63  }
0xea: {  	_ = 	snop  }
0xeb: {  	[tilespmem:s28], [sflag:$0x1] =	stream.indirect.gather [hbm4b:s7+s10], $0x1, s23, s10, $0xb8;
	[tilespmem:$0x600] =	vst v63  }
0xec: {  	_ = 	snop  }
0xed: {  	[tilespmem:s29], [sflag:$0x1] =	stream.indirect.gather [hbm4b:s8+s10], $0x1, s23, s10, $0xb8;
	[tilespmem:$0x600] =	vst v63  }
0xee: {  	_ = 	snop  }
0xef: {  	[tilespmem:s30], [sflag:$0x1] =	stream.indirect.gather [hbm4b:s7+s10], $0x1, s26, s10, $0xb8;
	[tilespmem:$0x600] =	vst v63  }
0xf0: {  	_ = 	snop  }
0xf1: {  	[tilespmem:s31], [sflag:$0x1] =	stream.indirect.gather [hbm4b:s8+s10], $0x1, s26, s10, $0xb8;
	[tilespmem:$0x600] =	vst v63  }
0xf2: {  	_ =	swait.ge [sflag:s6], $0x40  }
0xf3: {  	[sflag:s6] =	ssyncset.done $0x0  }
0xf4: {  	[sflag:s6] =	ssyncadd.s32 $0xFFFFFFC0  }
0xf5: {  	_ =	swait.ge [sflag:s6], $0x40  }
0xf6: {  	[sflag:s6] =	ssyncset.done $0x0  }
0xf7: {  	[sflag:s6] =	ssyncadd.s32 $0xFFFFFFC0  }
0xf8: {  	_ =	swait.ge [sflag:s6], $0x40  }
0xf9: {  	[sflag:s6] =	ssyncset.done $0x0  }
0xfa: {  	[sflag:s6] =	ssyncadd.s32 $0xFFFFFFC0  }
0xfb: {  	_ =	swait.ge [sflag:s6], $0x40  }
0xfc: {  	[sflag:s6] =	ssyncset.done $0x0  }
0xfd: {  	[sflag:s6] =	ssyncadd.s32 $0xFFFFFFC0  }
0xfe: {  	_ =	swait.ge [sflag:s6], $0x40  }
0xff: {  	[sflag:s6] =	ssyncset.done $0x0  }
0x100: {  	[sflag:s6] =	ssyncadd.s32 $0xFFFFFFC0  }
0x101: {  	_ =	swait.ge [sflag:s6], $0x40  }
0x102: {  	[sflag:s6] =	ssyncset.done $0x0  }
0x103: {  	[sflag:s6] =	ssyncadd.s32 $0xFFFFFFC0  }
0x104: {  	_ =	swait.ge [sflag:s6], $0x40  }
0x105: {  	[sflag:s6] =	ssyncset.done $0x0  }
0x106: {  	[sflag:s6] =	ssyncadd.s32 $0xFFFFFFC0  }
0x107: {  	_ =	swait.ge [sflag:s6], $0x40  }
0x108: {  	[sflag:s6] =	ssyncset.done $0x0  }
0x109: {  	[sflag:s6] =	ssyncadd.s32 $0xFFFFFFC0  }
0x10a: {  	_ =	swait.ge [sflag:s6], $0x40  }
0x10b: {  	[sflag:s6] =	ssyncset.done $0x0  }
0x10c: {  	[sflag:s6] =	ssyncadd.s32 $0xFFFFFFC0  }
0x10d: {  	_ =	swait.ge [sflag:s6], $0x40  }
0x10e: {  	[sflag:s6] =	ssyncset.done $0x0  }
0x10f: {  	[sflag:s6] =	ssyncadd.s32 $0xFFFFFFC0  }
0x110: {  	_ =	swait.ge [sflag:s6], $0x40  }
0x111: {  	[sflag:s6] =	ssyncset.done $0x0  }
0x112: {  	[sflag:s6] =	ssyncadd.s32 $0xFFFFFFC0  }
0x113: {  	_ =	swait.ge [sflag:s6], $0x40  }
0x114: {  	[sflag:s6] =	ssyncset.done $0x0  }
0x115: {  	[sflag:s6] =	ssyncadd.s32 $0xFFFFFFC0  }
0x116: {  	_ =	swait.ge [sflag:s6], $0x40  }
0x117: {  	[sflag:s6] =	ssyncset.done $0x0  }
0x118: {  	[sflag:s6] =	ssyncadd.s32 $0xFFFFFFC0  }
0x119: {  	_ =	swait.ge [sflag:s6], $0x40  }
0x11a: {  	[sflag:s6] =	ssyncset.done $0x0  }
0x11b: {  	[sflag:s6] =	ssyncadd.s32 $0xFFFFFFC0  }
0x11c: {  	_ =	swait.ge [sflag:s6], $0x40  }
0x11d: {  	[sflag:s6] =	ssyncset.done $0x0  }
0x11e: {  	[sflag:s6] =	ssyncadd.s32 $0xFFFFFFC0  }
0x11f: {  	_ =	swait.ge [sflag:s6], $0x40  }
0x120: {  	[sflag:s6] =	ssyncset.done $0x0  }
0x121: {  	s30 =	rddreg [dreg:$0x7];
	[sflag:s6] =	ssyncadd.s32 $0xFFFFFFC0  }
0x122: {  	[hbm4b:s30+s5] =	stream.strided.scatter [tilespmem:s3], [sflag:$0x1], $0x200, s4, s5, $0x38;
	[tilespmem:$0x600] =	vst v63  }
0x123: {  	_ = 	snop  }
0x124: {  	[hbm4b:s2+s5] =	stream.strided.scatter [tilespmem:s4], [sflag:$0x1], $0x200, s4, s5, $0x38;
	[tilespmem:$0x600] =	vst v63  }
0x125: {  	_ =	swait.ge [sflag:s6], $0x200  }
0x126: {  	[sflag:s6] =	ssyncset.done $0x0  }
0x127: {  	[sflag:s6] =	ssyncadd.s32 $0xFFFFFE00  }
0x128: {  	_ =	swait.ge [sflag:s6], $0x200  }
0x129: {  	[sflag:s6] =	ssyncset.done $0x0  }
0x12a: {  	[sflag:s6] =	ssyncadd.s32 $0xFFFFFE00  }
0x12b: {  	_ =	sfence.sel $0x180000  }
0x12c: {  	[bflag:$0x0] =	sbarrier.arrive $0xFFFF  }
0x12d: {  	_ =	strace $0x90000047  }
0x12e: {  	s31 =	stileid.u32;
	[bflag:$0x2] =	sbarrier.arrive $0xFFFF  }
0x12f: {  	p0 =	sne.s32 s31, $0x0;
	s0 =	rddreg [dreg:$0x5]  }
0x130: {  	s0 =	sadd.s32 @!p0 $0x100000, s0  }
0x131: {  	[sflag:s0] =	ssyncadd.tile.s32 @!p0 $0x1;
	_ =	shalt  }
.Lfunc_end2:
_tile_overlayer_lowered:
.L_overlay_start_2:
0x132: {  	(tag) =	ssettag $0x2  }
0x133: {  	s0 =	rddreg [dreg:$0x0];
	s2 =	stileid.u32  }
0x134: {  	s1 =	rddreg [dreg:$0x1];
	p0 =	sne.s32 s2, $0x0  }
0x135: {  	s3 =	rddreg [dreg:$0x2];
	[bflag:$0x3] =	sbarrier.arrive $0xFFFF;
	s2 =	simm.s32 @!p0 $0x1C02  }
0x136: {  	[timem:s3], [sflag:s2] =	dma.local @!p0 [hbm:s0], s1  }
0x137: {  	s0 =	simm.s32 @!p0 $0x2  }
0x138: {  	_ =	swait.ge @!p0 [sflag:s0], s1  }
0x139: {  	s1 =	ssub.s32 @!p0 $0x0, s1;
	[sflag:s0] =	ssyncset.done @!p0 $0x0  }
0x13a: {  	[sflag:s0] =	ssyncadd.s32 @!p0 s1  }
0x13b: {  	[bflag:$0x3] =	sbarrier.arrive $0xFFFF  }
0x13c: {  	_ =	shalt  }

</sc_bundles>
